<compile_context>
chip_gen: v7x
topology: tpu7x:2x2x1
jax: 0.10.2.dev20260603
libtpu: 0.0.44.dev20260713+nightly
codegen_flags: <defaults>
</compile_context>

<pallas_src>
import functools

import jax
import jax.numpy as jnp
from jax import lax
from jax.experimental import pallas as pl
from jax.experimental.pallas import tpu as pltpu
from jax.experimental.pallas import tpu_sc as plsc

N = 10000
E = 160000
D = 256
HID = 64
TW = 128

_NC = 2
_NS = 16
_NW = _NC * _NS
_L = 16

E_PAD = 163840
_EW = E_PAD // _NW
_CB = 128
_NCH = _EW // _CB

_EPAD_ROWS = E_PAD // 128


def _bf16_round(t):
    u = lax.bitcast_convert_type(t, jnp.int32)
    u = u + 32767 + (lax.shift_right_logical(u, 16) & 1)
    return lax.bitcast_convert_type(u & jnp.int32(-65536), jnp.float32)


def _proj_body(x_ref, w1a_ref, w1b_ref, b1_ref, t_ref):
    xx = x_ref[...]
    p = jnp.dot(xx, w1a_ref[...],
                preferred_element_type=jnp.float32) + b1_ref[...]
    q = jnp.dot(xx, w1b_ref[...],
                preferred_element_type=jnp.float32)
    t_ref[...] = jnp.concatenate([p, q], axis=1)


def _node_projections(x, w1a, w1b, b1row):
    bn = 2000
    return pl.pallas_call(
        _proj_body,
        grid=(N // bn,),
        in_specs=[
            pl.BlockSpec((bn, D), lambda i: (i, 0)),
            pl.BlockSpec((D, HID), lambda i: (0, 0)),
            pl.BlockSpec((D, HID), lambda i: (0, 0)),
            pl.BlockSpec((1, HID), lambda i: (0, 0)),
        ],
        out_specs=pl.BlockSpec((bn, TW), lambda i: (i, 0)),
        out_shape=jax.ShapeDtypeStruct((N, TW), jnp.float32),
    )(x, w1a, w1b, b1row)


def _edge_scores_sc(t_tab, src_pad, dst_pad, w2flat):
    mesh = plsc.VectorSubcoreMesh(core_axis_name="c", subcore_axis_name="s")
    npair = _NCH // 2

    @functools.partial(
        pl.kernel,
        out_type=jax.ShapeDtypeStruct((E_PAD,), jnp.float32),
        mesh=mesh,
        compiler_params=pltpu.CompilerParams(needs_layout_passes=False),
        scratch_types=[
            pltpu.VMEM((_CB,), jnp.int32),
            pltpu.VMEM((_CB,), jnp.int32),
            pltpu.VMEM((_CB,), jnp.int32),
            pltpu.VMEM((_CB,), jnp.int32),
            pltpu.VMEM((_CB, TW), jnp.float32),
            pltpu.VMEM((_CB, TW), jnp.float32),
            pltpu.VMEM((_CB, TW), jnp.float32),
            pltpu.VMEM((_CB, TW), jnp.float32),
            pltpu.VMEM((_EW,), jnp.float32),
            pltpu.VMEM((HID,), jnp.float32),
            pltpu.SemaphoreType.DMA,
            pltpu.SemaphoreType.DMA,
            pltpu.SemaphoreType.DMA,
            pltpu.SemaphoreType.DMA,
        ],
    )
    def k(t_hbm, src_hbm, dst_hbm, w2_hbm, out_hbm,
          sidx_a, didx_a, sidx_b, didx_b, sr_a, dr_a, sr_b, dr_b, vout, w2v,
          sem_sa, sem_da, sem_sb, sem_db):
        wid = lax.axis_index("s") * _NC + lax.axis_index("c")
        pltpu.sync_copy(w2_hbm, w2v)
        for i in range(HID // _L):
            w2v[pl.ds(i * _L, _L)] = _bf16_round(w2v[pl.ds(i * _L, _L)])
        iota16 = lax.iota(jnp.int32, _L)

        def start_gather(c, sidx, didx, sr, dr, sem_s, sem_d):
            base = wid * _EW + c * _CB
            pltpu.sync_copy(src_hbm.at[pl.ds(base, _CB)], sidx)
            pltpu.sync_copy(dst_hbm.at[pl.ds(base, _CB)], didx)
            pltpu.async_copy(t_hbm.at[sidx], sr, sem_s)
            pltpu.async_copy(t_hbm.at[didx], dr, sem_d)

        def wait_gather(sidx, didx, sr, dr, sem_s, sem_d):
            pltpu.make_async_copy(t_hbm.at[sidx], sr, sem_s).wait()
            pltpu.make_async_copy(t_hbm.at[didx], dr, sem_d).wait()

        def compute(c, sr, dr):
            def g_body(g, carry):
                rows = g * _L + iota16

                def d_body(d, acc):
                    cols = jnp.full((_L,), d, jnp.int32)
                    pd = plsc.load_gather(sr, [rows, cols])
                    qd = plsc.load_gather(dr, [rows, cols + HID])
                    w2d = plsc.load_gather(w2v, [cols])
                    h = jnp.maximum(pd + qd, 0.0)
                    return acc + _bf16_round(h) * w2d

                acc = lax.fori_loop(0, HID, d_body,
                                    jnp.zeros((_L,), jnp.float32),
                                    unroll=8)
                vout[pl.ds(c * _CB + g * _L, _L)] = acc
                return carry

            lax.fori_loop(0, _CB // _L, g_body, 0)

        start_gather(0, sidx_a, didx_a, sr_a, dr_a, sem_sa, sem_da)

        def pair_body(i, carry):
            c_a = 2 * i
            c_b = 2 * i + 1
            start_gather(c_b, sidx_b, didx_b, sr_b, dr_b, sem_sb, sem_db)
            wait_gather(sidx_a, didx_a, sr_a, dr_a, sem_sa, sem_da)
            compute(c_a, sr_a, dr_a)

            @pl.when(i < npair - 1)
            def _prefetch():
                start_gather(c_a + 2, sidx_a, didx_a, sr_a, dr_a,
                             sem_sa, sem_da)

            wait_gather(sidx_b, didx_b, sr_b, dr_b, sem_sb, sem_db)
            compute(c_b, sr_b, dr_b)
            return carry

        lax.fori_loop(0, npair, pair_body, 0)
        pltpu.sync_copy(vout, out_hbm.at[pl.ds(wid * _EW, _EW)])

    return k(t_tab, src_pad, dst_pad, w2flat)


def _mask_body(v_ref, k_ref, b2_ref, em_ref, hard_ref, sp_ref):
    v = v_ref[...] + b2_ref[0, 0]
    em = jax.nn.sigmoid(v)
    bits = lax.bitcast_convert_type(em, jnp.int32)
    rows = lax.broadcasted_iota(jnp.int32, v.shape, 0)
    cols = lax.broadcasted_iota(jnp.int32, v.shape, 1)
    flat = rows * v.shape[1] + cols
    key = jnp.where(flat < E, bits, -1)
    kth1 = k_ref[0, 0]

    def bit_body(i, t):
        cand = t | jnp.left_shift(jnp.int32(1), 30 - i)
        cnt = jnp.sum((key >= cand).astype(jnp.int32))
        return jnp.where(cnt >= kth1, cand, t)

    t_bits = lax.fori_loop(0, 31, bit_body, jnp.int32(0))
    hard = (key > t_bits).astype(jnp.float32)
    em_ref[...] = em
    hard_ref[...] = hard
    sp_ref[...] = em * hard


def _mask_outputs(values_pad2d, kth1_arr, b2arr):
    return pl.pallas_call(
        _mask_body,
        in_specs=[
            pl.BlockSpec(memory_space=pltpu.MemorySpace.VMEM),
            pl.BlockSpec(memory_space=pltpu.MemorySpace.SMEM),
            pl.BlockSpec(memory_space=pltpu.MemorySpace.SMEM),
        ],
        out_specs=[
            pl.BlockSpec(memory_space=pltpu.MemorySpace.VMEM),
            pl.BlockSpec(memory_space=pltpu.MemorySpace.VMEM),
            pl.BlockSpec(memory_space=pltpu.MemorySpace.VMEM),
        ],
        out_shape=[
            jax.ShapeDtypeStruct((_EPAD_ROWS, 128), jnp.float32),
            jax.ShapeDtypeStruct((_EPAD_ROWS, 128), jnp.float32),
            jax.ShapeDtypeStruct((_EPAD_ROWS, 128), jnp.float32),
        ],
    )(values_pad2d, kth1_arr, b2arr)


def kernel(x, edge_index, W1, b1, W2, b2, top_k):
    xb = x.astype(jnp.bfloat16)
    w1a = W1[:D].astype(jnp.bfloat16)
    w1b = W1[D:].astype(jnp.bfloat16)
    b1row = b1.reshape(1, HID)
    w2flat = W2.reshape(HID)

    t_tab = _node_projections(xb, w1a, w1b, b1row)

    src = edge_index[0]
    dst = edge_index[1]
    pad = E_PAD - E
    src_pad = jnp.concatenate([src, jnp.zeros((pad,), jnp.int32)])
    dst_pad = jnp.concatenate([dst, jnp.zeros((pad,), jnp.int32)])

    values = _edge_scores_sc(t_tab, src_pad, dst_pad, w2flat)

    kth1 = (jnp.minimum(jnp.asarray(top_k, jnp.int32), E - 1) + 1).reshape(1, 1)
    b2arr = b2.astype(jnp.float32).reshape(1, 1)
    em2d, hard2d, sp2d = _mask_outputs(values.reshape(_EPAD_ROWS, 128),
                                       kth1, b2arr)

    em = em2d.reshape(-1)[:E]
    hard = hard2d.reshape(-1)[:E]
    sp = sp2d.reshape(-1)[:E]
    return (em, hard, sp)

# --- scband reference (transcript-rebuilt; emitter-appended) ---
"""Pipeline reference for scband-pgexplainer-77970836291857 (READ-ONLY COPY).

The authoritative reference and input builder live on the scoring server;
editing this copy changes nothing except your own understanding.
"""

import jax, jax.numpy as jnp
import numpy as np

N = 10000
E = 160000
D = 256
HID = 64
TOP_K = 16000

def setup_inputs(seed: int = 0) -> dict:
    key = jax.random.key(seed)
    k1, k2, k3, k4 = jax.random.split(key, 4)
    x = jax.random.normal(k1, (N, D), dtype=jnp.float32)
    edge_index = jax.random.randint(k2, (2, E), 0, N, dtype=jnp.int32)
    # explanation network params: Linear(2*D -> 64) + ReLU, Linear(64 -> 1)
    W1 = jax.random.normal(k3, (2 * D, HID), dtype=jnp.float32) * (1.0 / np.sqrt(2 * D))
    b1 = jnp.zeros((HID,), dtype=jnp.float32)
    W2 = jax.random.normal(k4, (HID, 1), dtype=jnp.float32) * (1.0 / np.sqrt(HID))
    b2 = jnp.zeros((1,), dtype=jnp.float32)
    return {"x": x, "edge_index": edge_index, "W1": W1, "b1": b1, "W2": W2, "b2": b2, "top_k": TOP_K}

def reference(x, edge_index, W1, b1, W2, b2, top_k):
    # PGExplainer graph-classification path: edge embedding = cat(f_src, f_dst)
    src = edge_index[0]
    dst = edge_index[1]
    f1 = jnp.take(x, src, axis=0)
    f2 = jnp.take(x, dst, axis=0)
    emb = jnp.concatenate([f1, f2], axis=-1)            # [E, 2D]
    h = jax.nn.relu(emb @ W1 + b1)                      # [E, 64]
    values = (h @ W2 + b2).reshape(-1)                  # [E]
    edge_mask = jax.nn.sigmoid(values)                  # soft edge mask
    # calculate_selected_nodes-style top-k thresholding
    sorted_desc = jnp.sort(edge_mask)[::-1]
    kth = jnp.minimum(jnp.asarray(top_k, jnp.int32), edge_mask.shape[0] - 1)
    threshold = sorted_desc[kth]
    hard_mask = (edge_mask > threshold).astype(edge_mask.dtype)
    sparse_edge_weights = edge_mask * hard_mask
    return (edge_mask, hard_mask, sparse_edge_weights)

if __name__ == "__main__":
    import jax
    _d = setup_inputs()
    print(jax.jit(kernel)(*tuple(_d.values())))

</pallas_src>

<mosaic_0001>
#map = affine_map<(d0, d1) -> (0, 0)>
#map1 = affine_map<(d0, d1) -> (0)>
module attributes {stable_mosaic.version = 14 : i64} {
  func.func @k(%arg0: i32, %arg1: i32, %arg2: memref<10000x128xf32, #tpu.memory_space<hbm>>, %arg3: memref<163840xi32, #tpu.memory_space<hbm>>, %arg4: memref<163840xi32, #tpu.memory_space<hbm>>, %arg5: memref<64xf32, #tpu.memory_space<hbm>>, %arg6: memref<163840xf32, #tpu.memory_space<hbm>>, %arg7: memref<128xi32, #tpu.memory_space<vmem>>, %arg8: memref<128xi32, #tpu.memory_space<vmem>>, %arg9: memref<128xi32, #tpu.memory_space<vmem>>, %arg10: memref<128xi32, #tpu.memory_space<vmem>>, %arg11: memref<128x128xf32, #tpu.memory_space<vmem>>, %arg12: memref<128x128xf32, #tpu.memory_space<vmem>>, %arg13: memref<128x128xf32, #tpu.memory_space<vmem>>, %arg14: memref<128x128xf32, #tpu.memory_space<vmem>>, %arg15: memref<5120xf32, #tpu.memory_space<vmem>>, %arg16: memref<64xf32, #tpu.memory_space<vmem>>, %arg17: memref<!tpu.dma_semaphore, #tpu.memory_space<semaphore_mem>>, %arg18: memref<!tpu.dma_semaphore, #tpu.memory_space<semaphore_mem>>, %arg19: memref<!tpu.dma_semaphore, #tpu.memory_space<semaphore_mem>>, %arg20: memref<!tpu.dma_semaphore, #tpu.memory_space<semaphore_mem>>) attributes {dimension_semantics = [#tpu.dimension_semantics<core_parallel>, #tpu.dimension_semantics<subcore_parallel>], iteration_bounds = array<i64: 2, 16>, scalar_prefetch = 0 : i64, scratch_operands = 14 : i64, tpu.core_type = #tpu.core_type<sc_vector_subcore>, window_params = [{transform_indices = #map}, {transform_indices = #map1}, {transform_indices = #map1}, {transform_indices = #map1}, {transform_indices = #map1}]} {
    %mul3A = arith.constant 2 : i32
    %mul3A_0 = arith.muli %arg1, %mul3A : i32
    %add3A = arith.addi %mul3A_0, %arg0 : i32
    "tpu.region"() ({
      %run_scoped3A = tpu.sem_alloc : memref<!tpu.dma_semaphore, #tpu.memory_space<semaphore_mem>>
      tpu.enqueue_dma source(%arg5 : memref<64xf32, #tpu.memory_space<hbm>>) target(%arg16 : memref<64xf32, #tpu.memory_space<vmem>>) target_semaphore(%run_scoped3A : memref<!tpu.dma_semaphore, #tpu.memory_space<semaphore_mem>>)
      tpu.wait_dma2 semaphore(%run_scoped3A : memref<!tpu.dma_semaphore, #tpu.memory_space<semaphore_mem>>) src(%arg5 : memref<64xf32, #tpu.memory_space<hbm>>) dst(%arg16 : memref<64xf32, #tpu.memory_space<vmem>>)
      tpu.yield
    }) : () -> ()
    %get3A = arith.constant 0 : index
    %get3A_1 = tpu.vector_load %arg16[%get3A] {strides = array<i32>} : memref<64xf32, #tpu.memory_space<vmem>>, vector<16xf32>,
    %bitcast_convert_type3A = tpu.bitcast %get3A_1 : vector<16xf32> -> vector<16xi32>
    %add3A_2 = arith.constant 32767 : i32
    %add3A_3 = vector.broadcast %add3A_2 : i32 to vector<16xi32>
    %add3A_4 = arith.addi %bitcast_convert_type3A, %add3A_3 : vector<16xi32>
    %shift_right_logical3A = arith.constant 16 : i32
    %shift_right_logical3A_5 = vector.broadcast %shift_right_logical3A : i32 to vector<16xi32>
    %shift_right_logical3A_6 = arith.shrui %bitcast_convert_type3A, %shift_right_logical3A_5 : vector<16xi32>
    %and3A = arith.constant 1 : i32
    %and3A_7 = vector.broadcast %and3A : i32 to vector<16xi32>
    %and3A_8 = arith.andi %shift_right_logical3A_6, %and3A_7 : vector<16xi32>
    %add3A_9 = arith.addi %add3A_4, %and3A_8 : vector<16xi32>
    %and3A_10 = arith.constant -65536 : i32
    %and3A_11 = vector.broadcast %and3A_10 : i32 to vector<16xi32>
    %and3A_12 = arith.andi %add3A_9, %and3A_11 : vector<16xi32>
    %bitcast_convert_type3A_13 = tpu.bitcast %and3A_12 : vector<16xi32> -> vector<16xf32>
    %swap3A = arith.constant 0 : index
    %swap3A_14 = tpu.vector_load %arg16[%swap3A] {strides = array<i32>} : memref<64xf32, #tpu.memory_space<vmem>>, vector<16xf32>,
    tpu.vector_store %arg16[%swap3A], %bitcast_convert_type3A_13 {strides = array<i32>} : memref<64xf32, #tpu.memory_space<vmem>>, vector<16xf32>,
    %get3A_15 = arith.constant 16 : index
    %get3A_16 = tpu.vector_load %arg16[%get3A_15] {strides = array<i32>} : memref<64xf32, #tpu.memory_space<vmem>>, vector<16xf32>,
    %bitcast_convert_type3A_17 = tpu.bitcast %get3A_16 : vector<16xf32> -> vector<16xi32>
    %add3A_18 = arith.constant 32767 : i32
    %add3A_19 = vector.broadcast %add3A_18 : i32 to vector<16xi32>
    %add3A_20 = arith.addi %bitcast_convert_type3A_17, %add3A_19 : vector<16xi32>
    %shift_right_logical3A_21 = arith.constant 16 : i32
    %shift_right_logical3A_22 = vector.broadcast %shift_right_logical3A_21 : i32 to vector<16xi32>
    %shift_right_logical3A_23 = arith.shrui %bitcast_convert_type3A_17, %shift_right_logical3A_22 : vector<16xi32>
    %and3A_24 = arith.constant 1 : i32
    %and3A_25 = vector.broadcast %and3A_24 : i32 to vector<16xi32>
    %and3A_26 = arith.andi %shift_right_logical3A_23, %and3A_25 : vector<16xi32>
    %add3A_27 = arith.addi %add3A_20, %and3A_26 : vector<16xi32>
    %and3A_28 = arith.constant -65536 : i32
    %and3A_29 = vector.broadcast %and3A_28 : i32 to vector<16xi32>
    %and3A_30 = arith.andi %add3A_27, %and3A_29 : vector<16xi32>
    %bitcast_convert_type3A_31 = tpu.bitcast %and3A_30 : vector<16xi32> -> vector<16xf32>
    %swap3A_32 = arith.constant 16 : index
    %swap3A_33 = tpu.vector_load %arg16[%swap3A_32] {strides = array<i32>} : memref<64xf32, #tpu.memory_space<vmem>>, vector<16xf32>,
    tpu.vector_store %arg16[%swap3A_32], %bitcast_convert_type3A_31 {strides = array<i32>} : memref<64xf32, #tpu.memory_space<vmem>>, vector<16xf32>,
    %get3A_34 = arith.constant 32 : index
    %get3A_35 = tpu.vector_load %arg16[%get3A_34] {strides = array<i32>} : memref<64xf32, #tpu.memory_space<vmem>>, vector<16xf32>,
    %bitcast_convert_type3A_36 = tpu.bitcast %get3A_35 : vector<16xf32> -> vector<16xi32>
    %add3A_37 = arith.constant 32767 : i32
    %add3A_38 = vector.broadcast %add3A_37 : i32 to vector<16xi32>
    %add3A_39 = arith.addi %bitcast_convert_type3A_36, %add3A_38 : vector<16xi32>
    %shift_right_logical3A_40 = arith.constant 16 : i32
    %shift_right_logical3A_41 = vector.broadcast %shift_right_logical3A_40 : i32 to vector<16xi32>
    %shift_right_logical3A_42 = arith.shrui %bitcast_convert_type3A_36, %shift_right_logical3A_41 : vector<16xi32>
    %and3A_43 = arith.constant 1 : i32
    %and3A_44 = vector.broadcast %and3A_43 : i32 to vector<16xi32>
    %and3A_45 = arith.andi %shift_right_logical3A_42, %and3A_44 : vector<16xi32>
    %add3A_46 = arith.addi %add3A_39, %and3A_45 : vector<16xi32>
    %and3A_47 = arith.constant -65536 : i32
    %and3A_48 = vector.broadcast %and3A_47 : i32 to vector<16xi32>
    %and3A_49 = arith.andi %add3A_46, %and3A_48 : vector<16xi32>
    %bitcast_convert_type3A_50 = tpu.bitcast %and3A_49 : vector<16xi32> -> vector<16xf32>
    %swap3A_51 = arith.constant 32 : index
    %swap3A_52 = tpu.vector_load %arg16[%swap3A_51] {strides = array<i32>} : memref<64xf32, #tpu.memory_space<vmem>>, vector<16xf32>,
    tpu.vector_store %arg16[%swap3A_51], %bitcast_convert_type3A_50 {strides = array<i32>} : memref<64xf32, #tpu.memory_space<vmem>>, vector<16xf32>,
    %get3A_53 = arith.constant 48 : index
    %get3A_54 = tpu.vector_load %arg16[%get3A_53] {strides = array<i32>} : memref<64xf32, #tpu.memory_space<vmem>>, vector<16xf32>,
    %bitcast_convert_type3A_55 = tpu.bitcast %get3A_54 : vector<16xf32> -> vector<16xi32>
    %add3A_56 = arith.constant 32767 : i32
    %add3A_57 = vector.broadcast %add3A_56 : i32 to vector<16xi32>
    %add3A_58 = arith.addi %bitcast_convert_type3A_55, %add3A_57 : vector<16xi32>
    %shift_right_logical3A_59 = arith.constant 16 : i32
    %shift_right_logical3A_60 = vector.broadcast %shift_right_logical3A_59 : i32 to vector<16xi32>
    %shift_right_logical3A_61 = arith.shrui %bitcast_convert_type3A_55, %shift_right_logical3A_60 : vector<16xi32>
    %and3A_62 = arith.constant 1 : i32
    %and3A_63 = vector.broadcast %and3A_62 : i32 to vector<16xi32>
    %and3A_64 = arith.andi %shift_right_logical3A_61, %and3A_63 : vector<16xi32>
    %add3A_65 = arith.addi %add3A_58, %and3A_64 : vector<16xi32>
    %and3A_66 = arith.constant -65536 : i32
    %and3A_67 = vector.broadcast %and3A_66 : i32 to vector<16xi32>
    %and3A_68 = arith.andi %add3A_65, %and3A_67 : vector<16xi32>
    %bitcast_convert_type3A_69 = tpu.bitcast %and3A_68 : vector<16xi32> -> vector<16xf32>
    %swap3A_70 = arith.constant 48 : index
    %swap3A_71 = tpu.vector_load %arg16[%swap3A_70] {strides = array<i32>} : memref<64xf32, #tpu.memory_space<vmem>>, vector<16xf32>,
    tpu.vector_store %arg16[%swap3A_70], %bitcast_convert_type3A_69 {strides = array<i32>} : memref<64xf32, #tpu.memory_space<vmem>>, vector<16xf32>,
    %iota3A = tpu.iota {dimensions = array<i32: 0>} : vector<16xi32>
    %mul3A_72 = arith.constant 5120 : i32
    %mul3A_73 = arith.muli %add3A, %mul3A_72 : i32
    %add3A_74 = arith.constant 0 : i32
    %add3A_75 = arith.addi %mul3A_73, %add3A_74 : i32
    "tpu.region"() ({
      %run_scoped3A = tpu.sem_alloc : memref<!tpu.dma_semaphore, #tpu.memory_space<semaphore_mem>>
      %dma_start3A_88 = tpu.memref_slice %arg3[%add3A_75] : memref<163840xi32, #tpu.memory_space<hbm>> -> memref<128xi32, #tpu.memory_space<hbm>>
      %dma_start3A_89 = tpu.memref_slice %arg3[%add3A_75] : memref<163840xi32, #tpu.memory_space<hbm>> -> memref<128xi32, #tpu.memory_space<hbm>>
      tpu.enqueue_dma source(%dma_start3A_89 : memref<128xi32, #tpu.memory_space<hbm>>) target(%arg7 : memref<128xi32, #tpu.memory_space<vmem>>) target_semaphore(%run_scoped3A : memref<!tpu.dma_semaphore, #tpu.memory_space<semaphore_mem>>)
      %dma_wait3A = tpu.memref_slice %arg3[%add3A_75] : memref<163840xi32, #tpu.memory_space<hbm>> -> memref<128xi32, #tpu.memory_space<hbm>>
      %dma_wait3A_90 = tpu.memref_slice %arg3[%add3A_75] : memref<163840xi32, #tpu.memory_space<hbm>> -> memref<128xi32, #tpu.memory_space<hbm>>
      tpu.wait_dma2 semaphore(%run_scoped3A : memref<!tpu.dma_semaphore, #tpu.memory_space<semaphore_mem>>) src(%dma_wait3A_90 : memref<128xi32, #tpu.memory_space<hbm>>) dst(%arg7 : memref<128xi32, #tpu.memory_space<vmem>>)
      tpu.yield
    }) : () -> ()
    "tpu.region"() ({
      %run_scoped3A = tpu.sem_alloc : memref<!tpu.dma_semaphore, #tpu.memory_space<semaphore_mem>>
      %dma_start3A_88 = tpu.memref_slice %arg4[%add3A_75] : memref<163840xi32, #tpu.memory_space<hbm>> -> memref<128xi32, #tpu.memory_space<hbm>>
      %dma_start3A_89 = tpu.memref_slice %arg4[%add3A_75] : memref<163840xi32, #tpu.memory_space<hbm>> -> memref<128xi32, #tpu.memory_space<hbm>>
      tpu.enqueue_dma source(%dma_start3A_89 : memref<128xi32, #tpu.memory_space<hbm>>) target(%arg8 : memref<128xi32, #tpu.memory_space<vmem>>) target_semaphore(%run_scoped3A : memref<!tpu.dma_semaphore, #tpu.memory_space<semaphore_mem>>)
      %dma_wait3A = tpu.memref_slice %arg4[%add3A_75] : memref<163840xi32, #tpu.memory_space<hbm>> -> memref<128xi32, #tpu.memory_space<hbm>>
      %dma_wait3A_90 = tpu.memref_slice %arg4[%add3A_75] : memref<163840xi32, #tpu.memory_space<hbm>> -> memref<128xi32, #tpu.memory_space<hbm>>
      tpu.wait_dma2 semaphore(%run_scoped3A : memref<!tpu.dma_semaphore, #tpu.memory_space<semaphore_mem>>) src(%dma_wait3A_90 : memref<128xi32, #tpu.memory_space<hbm>>) dst(%arg8 : memref<128xi32, #tpu.memory_space<vmem>>)
      tpu.yield
    }) : () -> ()
    %dma_start3A = arith.constant 0 : i32
    %dma_start3A_76 = arith.constant 0 : i32
    %dma_start3A_77 = tpu.memref_slice %arg2[%dma_start3A, %dma_start3A_76] : memref<10000x128xf32, #tpu.memory_space<hbm>> -> memref<10000x128xf32, #tpu.memory_space<hbm>>
    tpu.enqueue_indirect_dma source(%dma_start3A_77 : memref<10000x128xf32, #tpu.memory_space<hbm>>) target(%arg11 : memref<128x128xf32, #tpu.memory_space<vmem>>) offsets(%arg7 : memref<128xi32, #tpu.memory_space<vmem>>) semaphore(%arg17 : memref<!tpu.dma_semaphore, #tpu.memory_space<semaphore_mem>>)
    %dma_start3A_78 = arith.constant 0 : i32
    %dma_start3A_79 = arith.constant 0 : i32
    %dma_start3A_80 = tpu.memref_slice %arg2[%dma_start3A_78, %dma_start3A_79] : memref<10000x128xf32, #tpu.memory_space<hbm>> -> memref<10000x128xf32, #tpu.memory_space<hbm>>
    tpu.enqueue_indirect_dma source(%dma_start3A_80 : memref<10000x128xf32, #tpu.memory_space<hbm>>) target(%arg12 : memref<128x128xf32, #tpu.memory_space<vmem>>) offsets(%arg8 : memref<128xi32, #tpu.memory_space<vmem>>) semaphore(%arg18 : memref<!tpu.dma_semaphore, #tpu.memory_space<semaphore_mem>>)
    %scan3A = arith.constant 0 : i32
    %scan3A_81 = arith.constant 0 : i32
    %scan3A_82 = arith.constant 20 : i32
    %scan3A_83 = arith.addi %scan3A_81, %scan3A_82 : i32
    %scan3A_84 = arith.constant 1 : i32
    scf.for %scan3A_88 = %scan3A_81 to %scan3A_83 step %scan3A_84  : i32 {
      %mul3A_89 = arith.constant 2 : i32
      %mul3A_90 = arith.muli %mul3A_89, %scan3A_88 : i32
      %mul3A_91 = arith.constant 2 : i32
      %mul3A_92 = arith.muli %mul3A_91, %scan3A_88 : i32
      %add3A_93 = arith.constant 1 : i32
      %add3A_94 = arith.addi %mul3A_92, %add3A_93 : i32
      %mul3A_95 = arith.constant 5120 : i32
      %mul3A_96 = arith.muli %add3A, %mul3A_95 : i32
      %mul3A_97 = arith.constant 128 : i32
      %mul3A_98 = arith.muli %add3A_94, %mul3A_97 : i32
      %add3A_99 = arith.addi %mul3A_96, %mul3A_98 : i32
      "tpu.region"() ({
        %run_scoped3A = tpu.sem_alloc : memref<!tpu.dma_semaphore, #tpu.memory_space<semaphore_mem>>
        %dma_start3A_131 = tpu.memref_slice %arg3[%add3A_99] : memref<163840xi32, #tpu.memory_space<hbm>> -> memref<128xi32, #tpu.memory_space<hbm>>
        %dma_start3A_132 = tpu.memref_slice %arg3[%add3A_99] : memref<163840xi32, #tpu.memory_space<hbm>> -> memref<128xi32, #tpu.memory_space<hbm>>
        tpu.enqueue_dma source(%dma_start3A_132 : memref<128xi32, #tpu.memory_space<hbm>>) target(%arg9 : memref<128xi32, #tpu.memory_space<vmem>>) target_semaphore(%run_scoped3A : memref<!tpu.dma_semaphore, #tpu.memory_space<semaphore_mem>>)
        %dma_wait3A_133 = tpu.memref_slice %arg3[%add3A_99] : memref<163840xi32, #tpu.memory_space<hbm>> -> memref<128xi32, #tpu.memory_space<hbm>>
        %dma_wait3A_134 = tpu.memref_slice %arg3[%add3A_99] : memref<163840xi32, #tpu.memory_space<hbm>> -> memref<128xi32, #tpu.memory_space<hbm>>
        tpu.wait_dma2 semaphore(%run_scoped3A : memref<!tpu.dma_semaphore, #tpu.memory_space<semaphore_mem>>) src(%dma_wait3A_134 : memref<128xi32, #tpu.memory_space<hbm>>) dst(%arg9 : memref<128xi32, #tpu.memory_space<vmem>>)
        tpu.yield
      }) : () -> ()
      "tpu.region"() ({
        %run_scoped3A = tpu.sem_alloc : memref<!tpu.dma_semaphore, #tpu.memory_space<semaphore_mem>>
        %dma_start3A_131 = tpu.memref_slice %arg4[%add3A_99] : memref<163840xi32, #tpu.memory_space<hbm>> -> memref<128xi32, #tpu.memory_space<hbm>>
        %dma_start3A_132 = tpu.memref_slice %arg4[%add3A_99] : memref<163840xi32, #tpu.memory_space<hbm>> -> memref<128xi32, #tpu.memory_space<hbm>>
        tpu.enqueue_dma source(%dma_start3A_132 : memref<128xi32, #tpu.memory_space<hbm>>) target(%arg10 : memref<128xi32, #tpu.memory_space<vmem>>) target_semaphore(%run_scoped3A : memref<!tpu.dma_semaphore, #tpu.memory_space<semaphore_mem>>)
        %dma_wait3A_133 = tpu.memref_slice %arg4[%add3A_99] : memref<163840xi32, #tpu.memory_space<hbm>> -> memref<128xi32, #tpu.memory_space<hbm>>
        %dma_wait3A_134 = tpu.memref_slice %arg4[%add3A_99] : memref<163840xi32, #tpu.memory_space<hbm>> -> memref<128xi32, #tpu.memory_space<hbm>>
        tpu.wait_dma2 semaphore(%run_scoped3A : memref<!tpu.dma_semaphore, #tpu.memory_space<semaphore_mem>>) src(%dma_wait3A_134 : memref<128xi32, #tpu.memory_space<hbm>>) dst(%arg10 : memref<128xi32, #tpu.memory_space<vmem>>)
        tpu.yield
      }) : () -> ()
      %dma_start3A_100 = arith.constant 0 : i32
      %dma_start3A_101 = arith.constant 0 : i32
      %dma_start3A_102 = tpu.memref_slice %arg2[%dma_start3A_100, %dma_start3A_101] : memref<10000x128xf32, #tpu.memory_space<hbm>> -> memref<10000x128xf32, #tpu.memory_space<hbm>>
      tpu.enqueue_indirect_dma source(%dma_start3A_102 : memref<10000x128xf32, #tpu.memory_space<hbm>>) target(%arg13 : memref<128x128xf32, #tpu.memory_space<vmem>>) offsets(%arg9 : memref<128xi32, #tpu.memory_space<vmem>>) semaphore(%arg19 : memref<!tpu.dma_semaphore, #tpu.memory_space<semaphore_mem>>)
      %dma_start3A_103 = arith.constant 0 : i32
      %dma_start3A_104 = arith.constant 0 : i32
      %dma_start3A_105 = tpu.memref_slice %arg2[%dma_start3A_103, %dma_start3A_104] : memref<10000x128xf32, #tpu.memory_space<hbm>> -> memref<10000x128xf32, #tpu.memory_space<hbm>>
      tpu.enqueue_indirect_dma source(%dma_start3A_105 : memref<10000x128xf32, #tpu.memory_space<hbm>>) target(%arg14 : memref<128x128xf32, #tpu.memory_space<vmem>>) offsets(%arg10 : memref<128xi32, #tpu.memory_space<vmem>>) semaphore(%arg20 : memref<!tpu.dma_semaphore, #tpu.memory_space<semaphore_mem>>)
      %dma_wait3A = arith.constant 0 : i32
      %dma_wait3A_106 = arith.constant 0 : i32
      %dma_wait3A_107 = tpu.memref_slice %arg2[%dma_wait3A, %dma_wait3A_106] : memref<10000x128xf32, #tpu.memory_space<hbm>> -> memref<10000x128xf32, #tpu.memory_space<hbm>>
      tpu.wait_indirect_dma semaphore(%arg17 : memref<!tpu.dma_semaphore, #tpu.memory_space<semaphore_mem>>) src(%dma_wait3A_107 : memref<10000x128xf32, #tpu.memory_space<hbm>>) dst(%arg11 : memref<128x128xf32, #tpu.memory_space<vmem>>)
      %dma_wait3A_108 = arith.constant 0 : i32
      %dma_wait3A_109 = arith.constant 0 : i32
      %dma_wait3A_110 = tpu.memref_slice %arg2[%dma_wait3A_108, %dma_wait3A_109] : memref<10000x128xf32, #tpu.memory_space<hbm>> -> memref<10000x128xf32, #tpu.memory_space<hbm>>
      tpu.wait_indirect_dma semaphore(%arg18 : memref<!tpu.dma_semaphore, #tpu.memory_space<semaphore_mem>>) src(%dma_wait3A_110 : memref<10000x128xf32, #tpu.memory_space<hbm>>) dst(%arg12 : memref<128x128xf32, #tpu.memory_space<vmem>>)
      %scan3A_111 = arith.constant 0 : i32
      %scan3A_112 = arith.constant 0 : i32
      %scan3A_113 = arith.constant 8 : i32
      %scan3A_114 = arith.addi %scan3A_112, %scan3A_113 : i32
      %scan3A_115 = arith.constant 1 : i32
      scf.for %scan3A_131 = %scan3A_112 to %scan3A_114 step %scan3A_115  : i32 {
        %mul3A_132 = arith.constant 16 : i32
        %mul3A_133 = arith.muli %scan3A_131, %mul3A_132 : i32
        %add3A_134 = vector.broadcast %mul3A_133 : i32 to vector<16xi32>
        %add3A_135 = arith.addi %add3A_134, %iota3A : vector<16xi32>
        %broadcast_in_dim3A = arith.constant 0.000000e+00 : f32
        %broadcast_in_dim3A_136 = vector.broadcast %broadcast_in_dim3A : f32 to vector<16xf32>
        %scan3A_137 = arith.constant 0 : i32
        %scan3A_138 = arith.constant 64 : i32
        %scan3A_139 = arith.addi %scan3A_137, %scan3A_138 : i32
        %scan3A_140 = arith.constant 8 : i32
        %scan3A_141 = scf.for %scan3A_150 = %scan3A_137 to %scan3A_139 step %scan3A_140 iter_args(%scan3A_151 = %broadcast_in_dim3A_136) -> (vector<16xf32>)  : i32 {
          %broadcast_in_dim3A_152 = vector.broadcast %scan3A_150 : i32 to vector<16xi32>
          %gather3A = tpu.vector_load_idx %arg11[%add3A_135, %broadcast_in_dim3A_152] : memref<128x128xf32, #tpu.memory_space<vmem>>[vector<16xi32>, vector<16xi32>], vector<16xf32>,
          %add3A_153 = arith.constant 64 : i32
          %add3A_154 = vector.broadcast %add3A_153 : i32 to vector<16xi32>
          %add3A_155 = arith.addi %broadcast_in_dim3A_152, %add3A_154 : vector<16xi32>
          %gather3A_156 = tpu.vector_load_idx %arg12[%add3A_135, %add3A_155] : memref<128x128xf32, #tpu.memory_space<vmem>>[vector<16xi32>, vector<16xi32>], vector<16xf32>,
          %gather3A_157 = tpu.vector_load_idx %arg16[%broadcast_in_dim3A_152] : memref<64xf32, #tpu.memory_space<vmem>>[vector<16xi32>], vector<16xf32>,
          %add3A_158 = arith.addf %gather3A, %gather3A_156 : vector<16xf32>
          %max3A = arith.constant 0.000000e+00 : f32
          %max3A_159 = vector.broadcast %max3A : f32 to vector<16xf32>
          %max3A_160 = arith.maximumf %add3A_158, %max3A_159 : vector<16xf32>
          %bitcast_convert_type3A_161 = tpu.bitcast %max3A_160 : vector<16xf32> -> vector<16xi32>
          %add3A_162 = arith.constant 32767 : i32
          %add3A_163 = vector.broadcast %add3A_162 : i32 to vector<16xi32>
          %add3A_164 = arith.addi %bitcast_convert_type3A_161, %add3A_163 : vector<16xi32>
          %shift_right_logical3A_165 = arith.constant 16 : i32
          %shift_right_logical3A_166 = vector.broadcast %shift_right_logical3A_165 : i32 to vector<16xi32>
          %shift_right_logical3A_167 = arith.shrui %bitcast_convert_type3A_161, %shift_right_logical3A_166 : vector<16xi32>
          %and3A_168 = arith.constant 1 : i32
          %and3A_169 = vector.broadcast %and3A_168 : i32 to vector<16xi32>
          %and3A_170 = arith.andi %shift_right_logical3A_167, %and3A_169 : vector<16xi32>
          %add3A_171 = arith.addi %add3A_164, %and3A_170 : vector<16xi32>
          %and3A_172 = arith.constant -65536 : i32
          %and3A_173 = vector.broadcast %and3A_172 : i32 to vector<16xi32>
          %and3A_174 = arith.andi %add3A_171, %and3A_173 : vector<16xi32>
          %bitcast_convert_type3A_175 = tpu.bitcast %and3A_174 : vector<16xi32> -> vector<16xf32>
          %mul3A_176 = arith.mulf %bitcast_convert_type3A_175, %gather3A_157 : vector<16xf32>
          %add3A_177 = arith.addf %scan3A_151, %mul3A_176 : vector<16xf32>
          %scan3A_178 = arith.constant 1 : i32
          %scan3A_179 = arith.addi %scan3A_150, %scan3A_178 : i32
          %broadcast_in_dim3A_180 = vector.broadcast %scan3A_179 : i32 to vector<16xi32>
          %gather3A_181 = tpu.vector_load_idx %arg11[%add3A_135, %broadcast_in_dim3A_180] : memref<128x128xf32, #tpu.memory_space<vmem>>[vector<16xi32>, vector<16xi32>], vector<16xf32>,
          %add3A_182 = arith.constant 64 : i32
          %add3A_183 = vector.broadcast %add3A_182 : i32 to vector<16xi32>
          %add3A_184 = arith.addi %broadcast_in_dim3A_180, %add3A_183 : vector<16xi32>
          %gather3A_185 = tpu.vector_load_idx %arg12[%add3A_135, %add3A_184] : memref<128x128xf32, #tpu.memory_space<vmem>>[vector<16xi32>, vector<16xi32>], vector<16xf32>,
          %gather3A_186 = tpu.vector_load_idx %arg16[%broadcast_in_dim3A_180] : memref<64xf32, #tpu.memory_space<vmem>>[vector<16xi32>], vector<16xf32>,
          %add3A_187 = arith.addf %gather3A_181, %gather3A_185 : vector<16xf32>
          %max3A_188 = arith.constant 0.000000e+00 : f32
          %max3A_189 = vector.broadcast %max3A_188 : f32 to vector<16xf32>
          %max3A_190 = arith.maximumf %add3A_187, %max3A_189 : vector<16xf32>
          %bitcast_convert_type3A_191 = tpu.bitcast %max3A_190 : vector<16xf32> -> vector<16xi32>
          %add3A_192 = arith.constant 32767 : i32
          %add3A_193 = vector.broadcast %add3A_192 : i32 to vector<16xi32>
          %add3A_194 = arith.addi %bitcast_convert_type3A_191, %add3A_193 : vector<16xi32>
          %shift_right_logical3A_195 = arith.constant 16 : i32
          %shift_right_logical3A_196 = vector.broadcast %shift_right_logical3A_195 : i32 to vector<16xi32>
          %shift_right_logical3A_197 = arith.shrui %bitcast_convert_type3A_191, %shift_right_logical3A_196 : vector<16xi32>
          %and3A_198 = arith.constant 1 : i32
          %and3A_199 = vector.broadcast %and3A_198 : i32 to vector<16xi32>
          %and3A_200 = arith.andi %shift_right_logical3A_197, %and3A_199 : vector<16xi32>
          %add3A_201 = arith.addi %add3A_194, %and3A_200 : vector<16xi32>
          %and3A_202 = arith.constant -65536 : i32
          %and3A_203 = vector.broadcast %and3A_202 : i32 to vector<16xi32>
          %and3A_204 = arith.andi %add3A_201, %and3A_203 : vector<16xi32>
          %bitcast_convert_type3A_205 = tpu.bitcast %and3A_204 : vector<16xi32> -> vector<16xf32>
          %mul3A_206 = arith.mulf %bitcast_convert_type3A_205, %gather3A_186 : vector<16xf32>
          %add3A_207 = arith.addf %add3A_177, %mul3A_206 : vector<16xf32>
          %scan3A_208 = arith.constant 2 : i32
          %scan3A_209 = arith.addi %scan3A_150, %scan3A_208 : i32
          %broadcast_in_dim3A_210 = vector.broadcast %scan3A_209 : i32 to vector<16xi32>
          %gather3A_211 = tpu.vector_load_idx %arg11[%add3A_135, %broadcast_in_dim3A_210] : memref<128x128xf32, #tpu.memory_space<vmem>>[vector<16xi32>, vector<16xi32>], vector<16xf32>,
          %add3A_212 = arith.constant 64 : i32
          %add3A_213 = vector.broadcast %add3A_212 : i32 to vector<16xi32>
          %add3A_214 = arith.addi %broadcast_in_dim3A_210, %add3A_213 : vector<16xi32>
          %gather3A_215 = tpu.vector_load_idx %arg12[%add3A_135, %add3A_214] : memref<128x128xf32, #tpu.memory_space<vmem>>[vector<16xi32>, vector<16xi32>], vector<16xf32>,
          %gather3A_216 = tpu.vector_load_idx %arg16[%broadcast_in_dim3A_210] : memref<64xf32, #tpu.memory_space<vmem>>[vector<16xi32>], vector<16xf32>,
          %add3A_217 = arith.addf %gather3A_211, %gather3A_215 : vector<16xf32>
          %max3A_218 = arith.constant 0.000000e+00 : f32
          %max3A_219 = vector.broadcast %max3A_218 : f32 to vector<16xf32>
          %max3A_220 = arith.maximumf %add3A_217, %max3A_219 : vector<16xf32>
          %bitcast_convert_type3A_221 = tpu.bitcast %max3A_220 : vector<16xf32> -> vector<16xi32>
          %add3A_222 = arith.constant 32767 : i32
          %add3A_223 = vector.broadcast %add3A_222 : i32 to vector<16xi32>
          %add3A_224 = arith.addi %bitcast_convert_type3A_221, %add3A_223 : vector<16xi32>
          %shift_right_logical3A_225 = arith.constant 16 : i32
          %shift_right_logical3A_226 = vector.broadcast %shift_right_logical3A_225 : i32 to vector<16xi32>
          %shift_right_logical3A_227 = arith.shrui %bitcast_convert_type3A_221, %shift_right_logical3A_226 : vector<16xi32>
          %and3A_228 = arith.constant 1 : i32
          %and3A_229 = vector.broadcast %and3A_228 : i32 to vector<16xi32>
          %and3A_230 = arith.andi %shift_right_logical3A_227, %and3A_229 : vector<16xi32>
          %add3A_231 = arith.addi %add3A_224, %and3A_230 : vector<16xi32>
          %and3A_232 = arith.constant -65536 : i32
          %and3A_233 = vector.broadcast %and3A_232 : i32 to vector<16xi32>
          %and3A_234 = arith.andi %add3A_231, %and3A_233 : vector<16xi32>
          %bitcast_convert_type3A_235 = tpu.bitcast %and3A_234 : vector<16xi32> -> vector<16xf32>
          %mul3A_236 = arith.mulf %bitcast_convert_type3A_235, %gather3A_216 : vector<16xf32>
          %add3A_237 = arith.addf %add3A_207, %mul3A_236 : vector<16xf32>
          %scan3A_238 = arith.constant 3 : i32
          %scan3A_239 = arith.addi %scan3A_150, %scan3A_238 : i32
          %broadcast_in_dim3A_240 = vector.broadcast %scan3A_239 : i32 to vector<16xi32>
          %gather3A_241 = tpu.vector_load_idx %arg11[%add3A_135, %broadcast_in_dim3A_240] : memref<128x128xf32, #tpu.memory_space<vmem>>[vector<16xi32>, vector<16xi32>], vector<16xf32>,
          %add3A_242 = arith.constant 64 : i32
          %add3A_243 = vector.broadcast %add3A_242 : i32 to vector<16xi32>
          %add3A_244 = arith.addi %broadcast_in_dim3A_240, %add3A_243 : vector<16xi32>
          %gather3A_245 = tpu.vector_load_idx %arg12[%add3A_135, %add3A_244] : memref<128x128xf32, #tpu.memory_space<vmem>>[vector<16xi32>, vector<16xi32>], vector<16xf32>,
          %gather3A_246 = tpu.vector_load_idx %arg16[%broadcast_in_dim3A_240] : memref<64xf32, #tpu.memory_space<vmem>>[vector<16xi32>], vector<16xf32>,
          %add3A_247 = arith.addf %gather3A_241, %gather3A_245 : vector<16xf32>
          %max3A_248 = arith.constant 0.000000e+00 : f32
          %max3A_249 = vector.broadcast %max3A_248 : f32 to vector<16xf32>
          %max3A_250 = arith.maximumf %add3A_247, %max3A_249 : vector<16xf32>
          %bitcast_convert_type3A_251 = tpu.bitcast %max3A_250 : vector<16xf32> -> vector<16xi32>
          %add3A_252 = arith.constant 32767 : i32
          %add3A_253 = vector.broadcast %add3A_252 : i32 to vector<16xi32>
          %add3A_254 = arith.addi %bitcast_convert_type3A_251, %add3A_253 : vector<16xi32>
          %shift_right_logical3A_255 = arith.constant 16 : i32
          %shift_right_logical3A_256 = vector.broadcast %shift_right_logical3A_255 : i32 to vector<16xi32>
          %shift_right_logical3A_257 = arith.shrui %bitcast_convert_type3A_251, %shift_right_logical3A_256 : vector<16xi32>
          %and3A_258 = arith.constant 1 : i32
          %and3A_259 = vector.broadcast %and3A_258 : i32 to vector<16xi32>
          %and3A_260 = arith.andi %shift_right_logical3A_257, %and3A_259 : vector<16xi32>
          %add3A_261 = arith.addi %add3A_254, %and3A_260 : vector<16xi32>
          %and3A_262 = arith.constant -65536 : i32
          %and3A_263 = vector.broadcast %and3A_262 : i32 to vector<16xi32>
          %and3A_264 = arith.andi %add3A_261, %and3A_263 : vector<16xi32>
          %bitcast_convert_type3A_265 = tpu.bitcast %and3A_264 : vector<16xi32> -> vector<16xf32>
          %mul3A_266 = arith.mulf %bitcast_convert_type3A_265, %gather3A_246 : vector<16xf32>
          %add3A_267 = arith.addf %add3A_237, %mul3A_266 : vector<16xf32>
          %scan3A_268 = arith.constant 4 : i32
          %scan3A_269 = arith.addi %scan3A_150, %scan3A_268 : i32
          %broadcast_in_dim3A_270 = vector.broadcast %scan3A_269 : i32 to vector<16xi32>
          %gather3A_271 = tpu.vector_load_idx %arg11[%add3A_135, %broadcast_in_dim3A_270] : memref<128x128xf32, #tpu.memory_space<vmem>>[vector<16xi32>, vector<16xi32>], vector<16xf32>,
          %add3A_272 = arith.constant 64 : i32
          %add3A_273 = vector.broadcast %add3A_272 : i32 to vector<16xi32>
          %add3A_274 = arith.addi %broadcast_in_dim3A_270, %add3A_273 : vector<16xi32>
          %gather3A_275 = tpu.vector_load_idx %arg12[%add3A_135, %add3A_274] : memref<128x128xf32, #tpu.memory_space<vmem>>[vector<16xi32>, vector<16xi32>], vector<16xf32>,
          %gather3A_276 = tpu.vector_load_idx %arg16[%broadcast_in_dim3A_270] : memref<64xf32, #tpu.memory_space<vmem>>[vector<16xi32>], vector<16xf32>,
          %add3A_277 = arith.addf %gather3A_271, %gather3A_275 : vector<16xf32>
          %max3A_278 = arith.constant 0.000000e+00 : f32
          %max3A_279 = vector.broadcast %max3A_278 : f32 to vector<16xf32>
          %max3A_280 = arith.maximumf %add3A_277, %max3A_279 : vector<16xf32>
          %bitcast_convert_type3A_281 = tpu.bitcast %max3A_280 : vector<16xf32> -> vector<16xi32>
          %add3A_282 = arith.constant 32767 : i32
          %add3A_283 = vector.broadcast %add3A_282 : i32 to vector<16xi32>
          %add3A_284 = arith.addi %bitcast_convert_type3A_281, %add3A_283 : vector<16xi32>
          %shift_right_logical3A_285 = arith.constant 16 : i32
          %shift_right_logical3A_286 = vector.broadcast %shift_right_logical3A_285 : i32 to vector<16xi32>
          %shift_right_logical3A_287 = arith.shrui %bitcast_convert_type3A_281, %shift_right_logical3A_286 : vector<16xi32>
          %and3A_288 = arith.constant 1 : i32
          %and3A_289 = vector.broadcast %and3A_288 : i32 to vector<16xi32>
          %and3A_290 = arith.andi %shift_right_logical3A_287, %and3A_289 : vector<16xi32>
          %add3A_291 = arith.addi %add3A_284, %and3A_290 : vector<16xi32>
          %and3A_292 = arith.constant -65536 : i32
          %and3A_293 = vector.broadcast %and3A_292 : i32 to vector<16xi32>
          %and3A_294 = arith.andi %add3A_291, %and3A_293 : vector<16xi32>
          %bitcast_convert_type3A_295 = tpu.bitcast %and3A_294 : vector<16xi32> -> vector<16xf32>
          %mul3A_296 = arith.mulf %bitcast_convert_type3A_295, %gather3A_276 : vector<16xf32>
          %add3A_297 = arith.addf %add3A_267, %mul3A_296 : vector<16xf32>
          %scan3A_298 = arith.constant 5 : i32
          %scan3A_299 = arith.addi %scan3A_150, %scan3A_298 : i32
          %broadcast_in_dim3A_300 = vector.broadcast %scan3A_299 : i32 to vector<16xi32>
          %gather3A_301 = tpu.vector_load_idx %arg11[%add3A_135, %broadcast_in_dim3A_300] : memref<128x128xf32, #tpu.memory_space<vmem>>[vector<16xi32>, vector<16xi32>], vector<16xf32>,
          %add3A_302 = arith.constant 64 : i32
          %add3A_303 = vector.broadcast %add3A_302 : i32 to vector<16xi32>
          %add3A_304 = arith.addi %broadcast_in_dim3A_300, %add3A_303 : vector<16xi32>
          %gather3A_305 = tpu.vector_load_idx %arg12[%add3A_135, %add3A_304] : memref<128x128xf32, #tpu.memory_space<vmem>>[vector<16xi32>, vector<16xi32>], vector<16xf32>,
          %gather3A_306 = tpu.vector_load_idx %arg16[%broadcast_in_dim3A_300] : memref<64xf32, #tpu.memory_space<vmem>>[vector<16xi32>], vector<16xf32>,
          %add3A_307 = arith.addf %gather3A_301, %gather3A_305 : vector<16xf32>
          %max3A_308 = arith.constant 0.000000e+00 : f32
          %max3A_309 = vector.broadcast %max3A_308 : f32 to vector<16xf32>
          %max3A_310 = arith.maximumf %add3A_307, %max3A_309 : vector<16xf32>
          %bitcast_convert_type3A_311 = tpu.bitcast %max3A_310 : vector<16xf32> -> vector<16xi32>
          %add3A_312 = arith.constant 32767 : i32
          %add3A_313 = vector.broadcast %add3A_312 : i32 to vector<16xi32>
          %add3A_314 = arith.addi %bitcast_convert_type3A_311, %add3A_313 : vector<16xi32>
          %shift_right_logical3A_315 = arith.constant 16 : i32
          %shift_right_logical3A_316 = vector.broadcast %shift_right_logical3A_315 : i32 to vector<16xi32>
          %shift_right_logical3A_317 = arith.shrui %bitcast_convert_type3A_311, %shift_right_logical3A_316 : vector<16xi32>
          %and3A_318 = arith.constant 1 : i32
          %and3A_319 = vector.broadcast %and3A_318 : i32 to vector<16xi32>
          %and3A_320 = arith.andi %shift_right_logical3A_317, %and3A_319 : vector<16xi32>
          %add3A_321 = arith.addi %add3A_314, %and3A_320 : vector<16xi32>
          %and3A_322 = arith.constant -65536 : i32
          %and3A_323 = vector.broadcast %and3A_322 : i32 to vector<16xi32>
          %and3A_324 = arith.andi %add3A_321, %and3A_323 : vector<16xi32>
          %bitcast_convert_type3A_325 = tpu.bitcast %and3A_324 : vector<16xi32> -> vector<16xf32>
          %mul3A_326 = arith.mulf %bitcast_convert_type3A_325, %gather3A_306 : vector<16xf32>
          %add3A_327 = arith.addf %add3A_297, %mul3A_326 : vector<16xf32>
          %scan3A_328 = arith.constant 6 : i32
          %scan3A_329 = arith.addi %scan3A_150, %scan3A_328 : i32
          %broadcast_in_dim3A_330 = vector.broadcast %scan3A_329 : i32 to vector<16xi32>
          %gather3A_331 = tpu.vector_load_idx %arg11[%add3A_135, %broadcast_in_dim3A_330] : memref<128x128xf32, #tpu.memory_space<vmem>>[vector<16xi32>, vector<16xi32>], vector<16xf32>,
          %add3A_332 = arith.constant 64 : i32
          %add3A_333 = vector.broadcast %add3A_332 : i32 to vector<16xi32>
          %add3A_334 = arith.addi %broadcast_in_dim3A_330, %add3A_333 : vector<16xi32>
          %gather3A_335 = tpu.vector_load_idx %arg12[%add3A_135, %add3A_334] : memref<128x128xf32, #tpu.memory_space<vmem>>[vector<16xi32>, vector<16xi32>], vector<16xf32>,
          %gather3A_336 = tpu.vector_load_idx %arg16[%broadcast_in_dim3A_330] : memref<64xf32, #tpu.memory_space<vmem>>[vector<16xi32>], vector<16xf32>,
          %add3A_337 = arith.addf %gather3A_331, %gather3A_335 : vector<16xf32>
          %max3A_338 = arith.constant 0.000000e+00 : f32
          %max3A_339 = vector.broadcast %max3A_338 : f32 to vector<16xf32>
          %max3A_340 = arith.maximumf %add3A_337, %max3A_339 : vector<16xf32>
          %bitcast_convert_type3A_341 = tpu.bitcast %max3A_340 : vector<16xf32> -> vector<16xi32>
          %add3A_342 = arith.constant 32767 : i32
          %add3A_343 = vector.broadcast %add3A_342 : i32 to vector<16xi32>
          %add3A_344 = arith.addi %bitcast_convert_type3A_341, %add3A_343 : vector<16xi32>
          %shift_right_logical3A_345 = arith.constant 16 : i32
          %shift_right_logical3A_346 = vector.broadcast %shift_right_logical3A_345 : i32 to vector<16xi32>
          %shift_right_logical3A_347 = arith.shrui %bitcast_convert_type3A_341, %shift_right_logical3A_346 : vector<16xi32>
          %and3A_348 = arith.constant 1 : i32
          %and3A_349 = vector.broadcast %and3A_348 : i32 to vector<16xi32>
          %and3A_350 = arith.andi %shift_right_logical3A_347, %and3A_349 : vector<16xi32>
          %add3A_351 = arith.addi %add3A_344, %and3A_350 : vector<16xi32>
          %and3A_352 = arith.constant -65536 : i32
          %and3A_353 = vector.broadcast %and3A_352 : i32 to vector<16xi32>
          %and3A_354 = arith.andi %add3A_351, %and3A_353 : vector<16xi32>
          %bitcast_convert_type3A_355 = tpu.bitcast %and3A_354 : vector<16xi32> -> vector<16xf32>
          %mul3A_356 = arith.mulf %bitcast_convert_type3A_355, %gather3A_336 : vector<16xf32>
          %add3A_357 = arith.addf %add3A_327, %mul3A_356 : vector<16xf32>
          %scan3A_358 = arith.constant 7 : i32
          %scan3A_359 = arith.addi %scan3A_150, %scan3A_358 : i32
          %broadcast_in_dim3A_360 = vector.broadcast %scan3A_359 : i32 to vector<16xi32>
          %gather3A_361 = tpu.vector_load_idx %arg11[%add3A_135, %broadcast_in_dim3A_360] : memref<128x128xf32, #tpu.memory_space<vmem>>[vector<16xi32>, vector<16xi32>], vector<16xf32>,
          %add3A_362 = arith.constant 64 : i32
          %add3A_363 = vector.broadcast %add3A_362 : i32 to vector<16xi32>
          %add3A_364 = arith.addi %broadcast_in_dim3A_360, %add3A_363 : vector<16xi32>
          %gather3A_365 = tpu.vector_load_idx %arg12[%add3A_135, %add3A_364] : memref<128x128xf32, #tpu.memory_space<vmem>>[vector<16xi32>, vector<16xi32>], vector<16xf32>,
          %gather3A_366 = tpu.vector_load_idx %arg16[%broadcast_in_dim3A_360] : memref<64xf32, #tpu.memory_space<vmem>>[vector<16xi32>], vector<16xf32>,
          %add3A_367 = arith.addf %gather3A_361, %gather3A_365 : vector<16xf32>
          %max3A_368 = arith.constant 0.000000e+00 : f32
          %max3A_369 = vector.broadcast %max3A_368 : f32 to vector<16xf32>
          %max3A_370 = arith.maximumf %add3A_367, %max3A_369 : vector<16xf32>
          %bitcast_convert_type3A_371 = tpu.bitcast %max3A_370 : vector<16xf32> -> vector<16xi32>
          %add3A_372 = arith.constant 32767 : i32
          %add3A_373 = vector.broadcast %add3A_372 : i32 to vector<16xi32>
          %add3A_374 = arith.addi %bitcast_convert_type3A_371, %add3A_373 : vector<16xi32>
          %shift_right_logical3A_375 = arith.constant 16 : i32
          %shift_right_logical3A_376 = vector.broadcast %shift_right_logical3A_375 : i32 to vector<16xi32>
          %shift_right_logical3A_377 = arith.shrui %bitcast_convert_type3A_371, %shift_right_logical3A_376 : vector<16xi32>
          %and3A_378 = arith.constant 1 : i32
          %and3A_379 = vector.broadcast %and3A_378 : i32 to vector<16xi32>
          %and3A_380 = arith.andi %shift_right_logical3A_377, %and3A_379 : vector<16xi32>
          %add3A_381 = arith.addi %add3A_374, %and3A_380 : vector<16xi32>
          %and3A_382 = arith.constant -65536 : i32
          %and3A_383 = vector.broadcast %and3A_382 : i32 to vector<16xi32>
          %and3A_384 = arith.andi %add3A_381, %and3A_383 : vector<16xi32>
          %bitcast_convert_type3A_385 = tpu.bitcast %and3A_384 : vector<16xi32> -> vector<16xf32>
          %mul3A_386 = arith.mulf %bitcast_convert_type3A_385, %gather3A_366 : vector<16xf32>
          %add3A_387 = arith.addf %add3A_357, %mul3A_386 : vector<16xf32>
          scf.yield %add3A_387 : vector<16xf32>
        }
        %scan3A_142 = arith.constant 64 : i32
        %mul3A_143 = arith.constant 128 : i32
        %mul3A_144 = arith.muli %mul3A_90, %mul3A_143 : i32
        %mul3A_145 = arith.constant 16 : i32
        %mul3A_146 = arith.muli %scan3A_131, %mul3A_145 : i32
        %add3A_147 = arith.addi %mul3A_144, %mul3A_146 : i32
        %swap3A_148 = arith.index_cast %add3A_147 : i32 to index
        %swap3A_149 = tpu.vector_load %arg15[%swap3A_148] {strides = array<i32>} : memref<5120xf32, #tpu.memory_space<vmem>>, vector<16xf32>,
        tpu.vector_store %arg15[%swap3A_148], %scan3A_141 {strides = array<i32>} : memref<5120xf32, #tpu.memory_space<vmem>>, vector<16xf32>,
      }
      %scan3A_116 = arith.constant 8 : i32
      %lt3A = arith.constant 19 : i32
      %lt3A_117 = arith.cmpi slt, %scan3A_88, %lt3A : i32
      %convert_element_type3A = arith.extui %lt3A_117 : i1 to i32
      %cond3A = arith.constant 0 : i32
      %cond3A_118 = arith.cmpi ne, %convert_element_type3A, %cond3A : i32
      scf.if %cond3A_118 {
        %add3A_131 = arith.constant 2 : i32
        %add3A_132 = arith.addi %mul3A_90, %add3A_131 : i32
        %mul3A_133 = arith.constant 5120 : i32
        %mul3A_134 = arith.muli %add3A, %mul3A_133 : i32
        %mul3A_135 = arith.constant 128 : i32
        %mul3A_136 = arith.muli %add3A_132, %mul3A_135 : i32
        %add3A_137 = arith.addi %mul3A_134, %mul3A_136 : i32
        "tpu.region"() ({
          %run_scoped3A = tpu.sem_alloc : memref<!tpu.dma_semaphore, #tpu.memory_space<semaphore_mem>>
          %dma_start3A_144 = tpu.memref_slice %arg3[%add3A_137] : memref<163840xi32, #tpu.memory_space<hbm>> -> memref<128xi32, #tpu.memory_space<hbm>>
          %dma_start3A_145 = tpu.memref_slice %arg3[%add3A_137] : memref<163840xi32, #tpu.memory_space<hbm>> -> memref<128xi32, #tpu.memory_space<hbm>>
          tpu.enqueue_dma source(%dma_start3A_145 : memref<128xi32, #tpu.memory_space<hbm>>) target(%arg7 : memref<128xi32, #tpu.memory_space<vmem>>) target_semaphore(%run_scoped3A : memref<!tpu.dma_semaphore, #tpu.memory_space<semaphore_mem>>)
          %dma_wait3A_146 = tpu.memref_slice %arg3[%add3A_137] : memref<163840xi32, #tpu.memory_space<hbm>> -> memref<128xi32, #tpu.memory_space<hbm>>
          %dma_wait3A_147 = tpu.memref_slice %arg3[%add3A_137] : memref<163840xi32, #tpu.memory_space<hbm>> -> memref<128xi32, #tpu.memory_space<hbm>>
          tpu.wait_dma2 semaphore(%run_scoped3A : memref<!tpu.dma_semaphore, #tpu.memory_space<semaphore_mem>>) src(%dma_wait3A_147 : memref<128xi32, #tpu.memory_space<hbm>>) dst(%arg7 : memref<128xi32, #tpu.memory_space<vmem>>)
          tpu.yield
        }) : () -> ()
        "tpu.region"() ({
          %run_scoped3A = tpu.sem_alloc : memref<!tpu.dma_semaphore, #tpu.memory_space<semaphore_mem>>
          %dma_start3A_144 = tpu.memref_slice %arg4[%add3A_137] : memref<163840xi32, #tpu.memory_space<hbm>> -> memref<128xi32, #tpu.memory_space<hbm>>
          %dma_start3A_145 = tpu.memref_slice %arg4[%add3A_137] : memref<163840xi32, #tpu.memory_space<hbm>> -> memref<128xi32, #tpu.memory_space<hbm>>
          tpu.enqueue_dma source(%dma_start3A_145 : memref<128xi32, #tpu.memory_space<hbm>>) target(%arg8 : memref<128xi32, #tpu.memory_space<vmem>>) target_semaphore(%run_scoped3A : memref<!tpu.dma_semaphore, #tpu.memory_space<semaphore_mem>>)
          %dma_wait3A_146 = tpu.memref_slice %arg4[%add3A_137] : memref<163840xi32, #tpu.memory_space<hbm>> -> memref<128xi32, #tpu.memory_space<hbm>>
          %dma_wait3A_147 = tpu.memref_slice %arg4[%add3A_137] : memref<163840xi32, #tpu.memory_space<hbm>> -> memref<128xi32, #tpu.memory_space<hbm>>
          tpu.wait_dma2 semaphore(%run_scoped3A : memref<!tpu.dma_semaphore, #tpu.memory_space<semaphore_mem>>) src(%dma_wait3A_147 : memref<128xi32, #tpu.memory_space<hbm>>) dst(%arg8 : memref<128xi32, #tpu.memory_space<vmem>>)
          tpu.yield
        }) : () -> ()
        %dma_start3A_138 = arith.constant 0 : i32
        %dma_start3A_139 = arith.constant 0 : i32
        %dma_start3A_140 = tpu.memref_slice %arg2[%dma_start3A_138, %dma_start3A_139] : memref<10000x128xf32, #tpu.memory_space<hbm>> -> memref<10000x128xf32, #tpu.memory_space<hbm>>
        tpu.enqueue_indirect_dma source(%dma_start3A_140 : memref<10000x128xf32, #tpu.memory_space<hbm>>) target(%arg11 : memref<128x128xf32, #tpu.memory_space<vmem>>) offsets(%arg7 : memref<128xi32, #tpu.memory_space<vmem>>) semaphore(%arg17 : memref<!tpu.dma_semaphore, #tpu.memory_space<semaphore_mem>>)
        %dma_start3A_141 = arith.constant 0 : i32
        %dma_start3A_142 = arith.constant 0 : i32
        %dma_start3A_143 = tpu.memref_slice %arg2[%dma_start3A_141, %dma_start3A_142] : memref<10000x128xf32, #tpu.memory_space<hbm>> -> memref<10000x128xf32, #tpu.memory_space<hbm>>
        tpu.enqueue_indirect_dma source(%dma_start3A_143 : memref<10000x128xf32, #tpu.memory_space<hbm>>) target(%arg12 : memref<128x128xf32, #tpu.memory_space<vmem>>) offsets(%arg8 : memref<128xi32, #tpu.memory_space<vmem>>) semaphore(%arg18 : memref<!tpu.dma_semaphore, #tpu.memory_space<semaphore_mem>>)
      } else {
      }
      %dma_wait3A_119 = arith.constant 0 : i32
      %dma_wait3A_120 = arith.constant 0 : i32
      %dma_wait3A_121 = tpu.memref_slice %arg2[%dma_wait3A_119, %dma_wait3A_120] : memref<10000x128xf32, #tpu.memory_space<hbm>> -> memref<10000x128xf32, #tpu.memory_space<hbm>>
      tpu.wait_indirect_dma semaphore(%arg19 : memref<!tpu.dma_semaphore, #tpu.memory_space<semaphore_mem>>) src(%dma_wait3A_121 : memref<10000x128xf32, #tpu.memory_space<hbm>>) dst(%arg13 : memref<128x128xf32, #tpu.memory_space<vmem>>)
      %dma_wait3A_122 = arith.constant 0 : i32
      %dma_wait3A_123 = arith.constant 0 : i32
      %dma_wait3A_124 = tpu.memref_slice %arg2[%dma_wait3A_122, %dma_wait3A_123] : memref<10000x128xf32, #tpu.memory_space<hbm>> -> memref<10000x128xf32, #tpu.memory_space<hbm>>
      tpu.wait_indirect_dma semaphore(%arg20 : memref<!tpu.dma_semaphore, #tpu.memory_space<semaphore_mem>>) src(%dma_wait3A_124 : memref<10000x128xf32, #tpu.memory_space<hbm>>) dst(%arg14 : memref<128x128xf32, #tpu.memory_space<vmem>>)
      %scan3A_125 = arith.constant 0 : i32
      %scan3A_126 = arith.constant 0 : i32
      %scan3A_127 = arith.constant 8 : i32
      %scan3A_128 = arith.addi %scan3A_126, %scan3A_127 : i32
      %scan3A_129 = arith.constant 1 : i32
      scf.for %scan3A_131 = %scan3A_126 to %scan3A_128 step %scan3A_129  : i32 {
        %mul3A_132 = arith.constant 16 : i32
        %mul3A_133 = arith.muli %scan3A_131, %mul3A_132 : i32
        %add3A_134 = vector.broadcast %mul3A_133 : i32 to vector<16xi32>
        %add3A_135 = arith.addi %add3A_134, %iota3A : vector<16xi32>
        %broadcast_in_dim3A = arith.constant 0.000000e+00 : f32
        %broadcast_in_dim3A_136 = vector.broadcast %broadcast_in_dim3A : f32 to vector<16xf32>
        %scan3A_137 = arith.constant 0 : i32
        %scan3A_138 = arith.constant 64 : i32
        %scan3A_139 = arith.addi %scan3A_137, %scan3A_138 : i32
        %scan3A_140 = arith.constant 8 : i32
        %scan3A_141 = scf.for %scan3A_150 = %scan3A_137 to %scan3A_139 step %scan3A_140 iter_args(%scan3A_151 = %broadcast_in_dim3A_136) -> (vector<16xf32>)  : i32 {
          %broadcast_in_dim3A_152 = vector.broadcast %scan3A_150 : i32 to vector<16xi32>
          %gather3A = tpu.vector_load_idx %arg13[%add3A_135, %broadcast_in_dim3A_152] : memref<128x128xf32, #tpu.memory_space<vmem>>[vector<16xi32>, vector<16xi32>], vector<16xf32>,
          %add3A_153 = arith.constant 64 : i32
          %add3A_154 = vector.broadcast %add3A_153 : i32 to vector<16xi32>
          %add3A_155 = arith.addi %broadcast_in_dim3A_152, %add3A_154 : vector<16xi32>
          %gather3A_156 = tpu.vector_load_idx %arg14[%add3A_135, %add3A_155] : memref<128x128xf32, #tpu.memory_space<vmem>>[vector<16xi32>, vector<16xi32>], vector<16xf32>,
          %gather3A_157 = tpu.vector_load_idx %arg16[%broadcast_in_dim3A_152] : memref<64xf32, #tpu.memory_space<vmem>>[vector<16xi32>], vector<16xf32>,
          %add3A_158 = arith.addf %gather3A, %gather3A_156 : vector<16xf32>
          %max3A = arith.constant 0.000000e+00 : f32
          %max3A_159 = vector.broadcast %max3A : f32 to vector<16xf32>
          %max3A_160 = arith.maximumf %add3A_158, %max3A_159 : vector<16xf32>
          %bitcast_convert_type3A_161 = tpu.bitcast %max3A_160 : vector<16xf32> -> vector<16xi32>
          %add3A_162 = arith.constant 32767 : i32
          %add3A_163 = vector.broadcast %add3A_162 : i32 to vector<16xi32>
          %add3A_164 = arith.addi %bitcast_convert_type3A_161, %add3A_163 : vector<16xi32>
          %shift_right_logical3A_165 = arith.constant 16 : i32
          %shift_right_logical3A_166 = vector.broadcast %shift_right_logical3A_165 : i32 to vector<16xi32>
          %shift_right_logical3A_167 = arith.shrui %bitcast_convert_type3A_161, %shift_right_logical3A_166 : vector<16xi32>
          %and3A_168 = arith.constant 1 : i32
          %and3A_169 = vector.broadcast %and3A_168 : i32 to vector<16xi32>
          %and3A_170 = arith.andi %shift_right_logical3A_167, %and3A_169 : vector<16xi32>
          %add3A_171 = arith.addi %add3A_164, %and3A_170 : vector<16xi32>
          %and3A_172 = arith.constant -65536 : i32
          %and3A_173 = vector.broadcast %and3A_172 : i32 to vector<16xi32>
          %and3A_174 = arith.andi %add3A_171, %and3A_173 : vector<16xi32>
          %bitcast_convert_type3A_175 = tpu.bitcast %and3A_174 : vector<16xi32> -> vector<16xf32>
          %mul3A_176 = arith.mulf %bitcast_convert_type3A_175, %gather3A_157 : vector<16xf32>
          %add3A_177 = arith.addf %scan3A_151, %mul3A_176 : vector<16xf32>
          %scan3A_178 = arith.constant 1 : i32
          %scan3A_179 = arith.addi %scan3A_150, %scan3A_178 : i32
          %broadcast_in_dim3A_180 = vector.broadcast %scan3A_179 : i32 to vector<16xi32>
          %gather3A_181 = tpu.vector_load_idx %arg13[%add3A_135, %broadcast_in_dim3A_180] : memref<128x128xf32, #tpu.memory_space<vmem>>[vector<16xi32>, vector<16xi32>], vector<16xf32>,
          %add3A_182 = arith.constant 64 : i32
          %add3A_183 = vector.broadcast %add3A_182 : i32 to vector<16xi32>
          %add3A_184 = arith.addi %broadcast_in_dim3A_180, %add3A_183 : vector<16xi32>
          %gather3A_185 = tpu.vector_load_idx %arg14[%add3A_135, %add3A_184] : memref<128x128xf32, #tpu.memory_space<vmem>>[vector<16xi32>, vector<16xi32>], vector<16xf32>,
          %gather3A_186 = tpu.vector_load_idx %arg16[%broadcast_in_dim3A_180] : memref<64xf32, #tpu.memory_space<vmem>>[vector<16xi32>], vector<16xf32>,
          %add3A_187 = arith.addf %gather3A_181, %gather3A_185 : vector<16xf32>
          %max3A_188 = arith.constant 0.000000e+00 : f32
          %max3A_189 = vector.broadcast %max3A_188 : f32 to vector<16xf32>
          %max3A_190 = arith.maximumf %add3A_187, %max3A_189 : vector<16xf32>
          %bitcast_convert_type3A_191 = tpu.bitcast %max3A_190 : vector<16xf32> -> vector<16xi32>
          %add3A_192 = arith.constant 32767 : i32
          %add3A_193 = vector.broadcast %add3A_192 : i32 to vector<16xi32>
          %add3A_194 = arith.addi %bitcast_convert_type3A_191, %add3A_193 : vector<16xi32>
          %shift_right_logical3A_195 = arith.constant 16 : i32
          %shift_right_logical3A_196 = vector.broadcast %shift_right_logical3A_195 : i32 to vector<16xi32>
          %shift_right_logical3A_197 = arith.shrui %bitcast_convert_type3A_191, %shift_right_logical3A_196 : vector<16xi32>
          %and3A_198 = arith.constant 1 : i32
          %and3A_199 = vector.broadcast %and3A_198 : i32 to vector<16xi32>
          %and3A_200 = arith.andi %shift_right_logical3A_197, %and3A_199 : vector<16xi32>
          %add3A_201 = arith.addi %add3A_194, %and3A_200 : vector<16xi32>
          %and3A_202 = arith.constant -65536 : i32
          %and3A_203 = vector.broadcast %and3A_202 : i32 to vector<16xi32>
          %and3A_204 = arith.andi %add3A_201, %and3A_203 : vector<16xi32>
          %bitcast_convert_type3A_205 = tpu.bitcast %and3A_204 : vector<16xi32> -> vector<16xf32>
          %mul3A_206 = arith.mulf %bitcast_convert_type3A_205, %gather3A_186 : vector<16xf32>
          %add3A_207 = arith.addf %add3A_177, %mul3A_206 : vector<16xf32>
          %scan3A_208 = arith.constant 2 : i32
          %scan3A_209 = arith.addi %scan3A_150, %scan3A_208 : i32
          %broadcast_in_dim3A_210 = vector.broadcast %scan3A_209 : i32 to vector<16xi32>
          %gather3A_211 = tpu.vector_load_idx %arg13[%add3A_135, %broadcast_in_dim3A_210] : memref<128x128xf32, #tpu.memory_space<vmem>>[vector<16xi32>, vector<16xi32>], vector<16xf32>,
          %add3A_212 = arith.constant 64 : i32
          %add3A_213 = vector.broadcast %add3A_212 : i32 to vector<16xi32>
          %add3A_214 = arith.addi %broadcast_in_dim3A_210, %add3A_213 : vector<16xi32>
          %gather3A_215 = tpu.vector_load_idx %arg14[%add3A_135, %add3A_214] : memref<128x128xf32, #tpu.memory_space<vmem>>[vector<16xi32>, vector<16xi32>], vector<16xf32>,
          %gather3A_216 = tpu.vector_load_idx %arg16[%broadcast_in_dim3A_210] : memref<64xf32, #tpu.memory_space<vmem>>[vector<16xi32>], vector<16xf32>,
          %add3A_217 = arith.addf %gather3A_211, %gather3A_215 : vector<16xf32>
          %max3A_218 = arith.constant 0.000000e+00 : f32
          %max3A_219 = vector.broadcast %max3A_218 : f32 to vector<16xf32>
          %max3A_220 = arith.maximumf %add3A_217, %max3A_219 : vector<16xf32>
          %bitcast_convert_type3A_221 = tpu.bitcast %max3A_220 : vector<16xf32> -> vector<16xi32>
          %add3A_222 = arith.constant 32767 : i32
          %add3A_223 = vector.broadcast %add3A_222 : i32 to vector<16xi32>
          %add3A_224 = arith.addi %bitcast_convert_type3A_221, %add3A_223 : vector<16xi32>
          %shift_right_logical3A_225 = arith.constant 16 : i32
          %shift_right_logical3A_226 = vector.broadcast %shift_right_logical3A_225 : i32 to vector<16xi32>
          %shift_right_logical3A_227 = arith.shrui %bitcast_convert_type3A_221, %shift_right_logical3A_226 : vector<16xi32>
          %and3A_228 = arith.constant 1 : i32
          %and3A_229 = vector.broadcast %and3A_228 : i32 to vector<16xi32>
          %and3A_230 = arith.andi %shift_right_logical3A_227, %and3A_229 : vector<16xi32>
          %add3A_231 = arith.addi %add3A_224, %and3A_230 : vector<16xi32>
          %and3A_232 = arith.constant -65536 : i32
          %and3A_233 = vector.broadcast %and3A_232 : i32 to vector<16xi32>
          %and3A_234 = arith.andi %add3A_231, %and3A_233 : vector<16xi32>
          %bitcast_convert_type3A_235 = tpu.bitcast %and3A_234 : vector<16xi32> -> vector<16xf32>
          %mul3A_236 = arith.mulf %bitcast_convert_type3A_235, %gather3A_216 : vector<16xf32>
          %add3A_237 = arith.addf %add3A_207, %mul3A_236 : vector<16xf32>
          %scan3A_238 = arith.constant 3 : i32
          %scan3A_239 = arith.addi %scan3A_150, %scan3A_238 : i32
          %broadcast_in_dim3A_240 = vector.broadcast %scan3A_239 : i32 to vector<16xi32>
          %gather3A_241 = tpu.vector_load_idx %arg13[%add3A_135, %broadcast_in_dim3A_240] : memref<128x128xf32, #tpu.memory_space<vmem>>[vector<16xi32>, vector<16xi32>], vector<16xf32>,
          %add3A_242 = arith.constant 64 : i32
          %add3A_243 = vector.broadcast %add3A_242 : i32 to vector<16xi32>
          %add3A_244 = arith.addi %broadcast_in_dim3A_240, %add3A_243 : vector<16xi32>
          %gather3A_245 = tpu.vector_load_idx %arg14[%add3A_135, %add3A_244] : memref<128x128xf32, #tpu.memory_space<vmem>>[vector<16xi32>, vector<16xi32>], vector<16xf32>,
          %gather3A_246 = tpu.vector_load_idx %arg16[%broadcast_in_dim3A_240] : memref<64xf32, #tpu.memory_space<vmem>>[vector<16xi32>], vector<16xf32>,
          %add3A_247 = arith.addf %gather3A_241, %gather3A_245 : vector<16xf32>
          %max3A_248 = arith.constant 0.000000e+00 : f32
          %max3A_249 = vector.broadcast %max3A_248 : f32 to vector<16xf32>
          %max3A_250 = arith.maximumf %add3A_247, %max3A_249 : vector<16xf32>
          %bitcast_convert_type3A_251 = tpu.bitcast %max3A_250 : vector<16xf32> -> vector<16xi32>
          %add3A_252 = arith.constant 32767 : i32
          %add3A_253 = vector.broadcast %add3A_252 : i32 to vector<16xi32>
          %add3A_254 = arith.addi %bitcast_convert_type3A_251, %add3A_253 : vector<16xi32>
          %shift_right_logical3A_255 = arith.constant 16 : i32
          %shift_right_logical3A_256 = vector.broadcast %shift_right_logical3A_255 : i32 to vector<16xi32>
          %shift_right_logical3A_257 = arith.shrui %bitcast_convert_type3A_251, %shift_right_logical3A_256 : vector<16xi32>
          %and3A_258 = arith.constant 1 : i32
          %and3A_259 = vector.broadcast %and3A_258 : i32 to vector<16xi32>
          %and3A_260 = arith.andi %shift_right_logical3A_257, %and3A_259 : vector<16xi32>
          %add3A_261 = arith.addi %add3A_254, %and3A_260 : vector<16xi32>
          %and3A_262 = arith.constant -65536 : i32
          %and3A_263 = vector.broadcast %and3A_262 : i32 to vector<16xi32>
          %and3A_264 = arith.andi %add3A_261, %and3A_263 : vector<16xi32>
          %bitcast_convert_type3A_265 = tpu.bitcast %and3A_264 : vector<16xi32> -> vector<16xf32>
          %mul3A_266 = arith.mulf %bitcast_convert_type3A_265, %gather3A_246 : vector<16xf32>
          %add3A_267 = arith.addf %add3A_237, %mul3A_266 : vector<16xf32>
          %scan3A_268 = arith.constant 4 : i32
          %scan3A_269 = arith.addi %scan3A_150, %scan3A_268 : i32
          %broadcast_in_dim3A_270 = vector.broadcast %scan3A_269 : i32 to vector<16xi32>
          %gather3A_271 = tpu.vector_load_idx %arg13[%add3A_135, %broadcast_in_dim3A_270] : memref<128x128xf32, #tpu.memory_space<vmem>>[vector<16xi32>, vector<16xi32>], vector<16xf32>,
          %add3A_272 = arith.constant 64 : i32
          %add3A_273 = vector.broadcast %add3A_272 : i32 to vector<16xi32>
          %add3A_274 = arith.addi %broadcast_in_dim3A_270, %add3A_273 : vector<16xi32>
          %gather3A_275 = tpu.vector_load_idx %arg14[%add3A_135, %add3A_274] : memref<128x128xf32, #tpu.memory_space<vmem>>[vector<16xi32>, vector<16xi32>], vector<16xf32>,
          %gather3A_276 = tpu.vector_load_idx %arg16[%broadcast_in_dim3A_270] : memref<64xf32, #tpu.memory_space<vmem>>[vector<16xi32>], vector<16xf32>,
          %add3A_277 = arith.addf %gather3A_271, %gather3A_275 : vector<16xf32>
          %max3A_278 = arith.constant 0.000000e+00 : f32
          %max3A_279 = vector.broadcast %max3A_278 : f32 to vector<16xf32>
          %max3A_280 = arith.maximumf %add3A_277, %max3A_279 : vector<16xf32>
          %bitcast_convert_type3A_281 = tpu.bitcast %max3A_280 : vector<16xf32> -> vector<16xi32>
          %add3A_282 = arith.constant 32767 : i32
          %add3A_283 = vector.broadcast %add3A_282 : i32 to vector<16xi32>
          %add3A_284 = arith.addi %bitcast_convert_type3A_281, %add3A_283 : vector<16xi32>
          %shift_right_logical3A_285 = arith.constant 16 : i32
          %shift_right_logical3A_286 = vector.broadcast %shift_right_logical3A_285 : i32 to vector<16xi32>
          %shift_right_logical3A_287 = arith.shrui %bitcast_convert_type3A_281, %shift_right_logical3A_286 : vector<16xi32>
          %and3A_288 = arith.constant 1 : i32
          %and3A_289 = vector.broadcast %and3A_288 : i32 to vector<16xi32>
          %and3A_290 = arith.andi %shift_right_logical3A_287, %and3A_289 : vector<16xi32>
          %add3A_291 = arith.addi %add3A_284, %and3A_290 : vector<16xi32>
          %and3A_292 = arith.constant -65536 : i32
          %and3A_293 = vector.broadcast %and3A_292 : i32 to vector<16xi32>
          %and3A_294 = arith.andi %add3A_291, %and3A_293 : vector<16xi32>
          %bitcast_convert_type3A_295 = tpu.bitcast %and3A_294 : vector<16xi32> -> vector<16xf32>
          %mul3A_296 = arith.mulf %bitcast_convert_type3A_295, %gather3A_276 : vector<16xf32>
          %add3A_297 = arith.addf %add3A_267, %mul3A_296 : vector<16xf32>
          %scan3A_298 = arith.constant 5 : i32
          %scan3A_299 = arith.addi %scan3A_150, %scan3A_298 : i32
          %broadcast_in_dim3A_300 = vector.broadcast %scan3A_299 : i32 to vector<16xi32>
          %gather3A_301 = tpu.vector_load_idx %arg13[%add3A_135, %broadcast_in_dim3A_300] : memref<128x128xf32, #tpu.memory_space<vmem>>[vector<16xi32>, vector<16xi32>], vector<16xf32>,
          %add3A_302 = arith.constant 64 : i32
          %add3A_303 = vector.broadcast %add3A_302 : i32 to vector<16xi32>
          %add3A_304 = arith.addi %broadcast_in_dim3A_300, %add3A_303 : vector<16xi32>
          %gather3A_305 = tpu.vector_load_idx %arg14[%add3A_135, %add3A_304] : memref<128x128xf32, #tpu.memory_space<vmem>>[vector<16xi32>, vector<16xi32>], vector<16xf32>,
          %gather3A_306 = tpu.vector_load_idx %arg16[%broadcast_in_dim3A_300] : memref<64xf32, #tpu.memory_space<vmem>>[vector<16xi32>], vector<16xf32>,
          %add3A_307 = arith.addf %gather3A_301, %gather3A_305 : vector<16xf32>
          %max3A_308 = arith.constant 0.000000e+00 : f32
          %max3A_309 = vector.broadcast %max3A_308 : f32 to vector<16xf32>
          %max3A_310 = arith.maximumf %add3A_307, %max3A_309 : vector<16xf32>
          %bitcast_convert_type3A_311 = tpu.bitcast %max3A_310 : vector<16xf32> -> vector<16xi32>
          %add3A_312 = arith.constant 32767 : i32
          %add3A_313 = vector.broadcast %add3A_312 : i32 to vector<16xi32>
          %add3A_314 = arith.addi %bitcast_convert_type3A_311, %add3A_313 : vector<16xi32>
          %shift_right_logical3A_315 = arith.constant 16 : i32
          %shift_right_logical3A_316 = vector.broadcast %shift_right_logical3A_315 : i32 to vector<16xi32>
          %shift_right_logical3A_317 = arith.shrui %bitcast_convert_type3A_311, %shift_right_logical3A_316 : vector<16xi32>
          %and3A_318 = arith.constant 1 : i32
          %and3A_319 = vector.broadcast %and3A_318 : i32 to vector<16xi32>
          %and3A_320 = arith.andi %shift_right_logical3A_317, %and3A_319 : vector<16xi32>
          %add3A_321 = arith.addi %add3A_314, %and3A_320 : vector<16xi32>
          %and3A_322 = arith.constant -65536 : i32
          %and3A_323 = vector.broadcast %and3A_322 : i32 to vector<16xi32>
          %and3A_324 = arith.andi %add3A_321, %and3A_323 : vector<16xi32>
          %bitcast_convert_type3A_325 = tpu.bitcast %and3A_324 : vector<16xi32> -> vector<16xf32>
          %mul3A_326 = arith.mulf %bitcast_convert_type3A_325, %gather3A_306 : vector<16xf32>
          %add3A_327 = arith.addf %add3A_297, %mul3A_326 : vector<16xf32>
          %scan3A_328 = arith.constant 6 : i32
          %scan3A_329 = arith.addi %scan3A_150, %scan3A_328 : i32
          %broadcast_in_dim3A_330 = vector.broadcast %scan3A_329 : i32 to vector<16xi32>
          %gather3A_331 = tpu.vector_load_idx %arg13[%add3A_135, %broadcast_in_dim3A_330] : memref<128x128xf32, #tpu.memory_space<vmem>>[vector<16xi32>, vector<16xi32>], vector<16xf32>,
          %add3A_332 = arith.constant 64 : i32
          %add3A_333 = vector.broadcast %add3A_332 : i32 to vector<16xi32>
          %add3A_334 = arith.addi %broadcast_in_dim3A_330, %add3A_333 : vector<16xi32>
          %gather3A_335 = tpu.vector_load_idx %arg14[%add3A_135, %add3A_334] : memref<128x128xf32, #tpu.memory_space<vmem>>[vector<16xi32>, vector<16xi32>], vector<16xf32>,
          %gather3A_336 = tpu.vector_load_idx %arg16[%broadcast_in_dim3A_330] : memref<64xf32, #tpu.memory_space<vmem>>[vector<16xi32>], vector<16xf32>,
          %add3A_337 = arith.addf %gather3A_331, %gather3A_335 : vector<16xf32>
          %max3A_338 = arith.constant 0.000000e+00 : f32
          %max3A_339 = vector.broadcast %max3A_338 : f32 to vector<16xf32>
          %max3A_340 = arith.maximumf %add3A_337, %max3A_339 : vector<16xf32>
          %bitcast_convert_type3A_341 = tpu.bitcast %max3A_340 : vector<16xf32> -> vector<16xi32>
          %add3A_342 = arith.constant 32767 : i32
          %add3A_343 = vector.broadcast %add3A_342 : i32 to vector<16xi32>
          %add3A_344 = arith.addi %bitcast_convert_type3A_341, %add3A_343 : vector<16xi32>
          %shift_right_logical3A_345 = arith.constant 16 : i32
          %shift_right_logical3A_346 = vector.broadcast %shift_right_logical3A_345 : i32 to vector<16xi32>
          %shift_right_logical3A_347 = arith.shrui %bitcast_convert_type3A_341, %shift_right_logical3A_346 : vector<16xi32>
          %and3A_348 = arith.constant 1 : i32
          %and3A_349 = vector.broadcast %and3A_348 : i32 to vector<16xi32>
          %and3A_350 = arith.andi %shift_right_logical3A_347, %and3A_349 : vector<16xi32>
          %add3A_351 = arith.addi %add3A_344, %and3A_350 : vector<16xi32>
          %and3A_352 = arith.constant -65536 : i32
          %and3A_353 = vector.broadcast %and3A_352 : i32 to vector<16xi32>
          %and3A_354 = arith.andi %add3A_351, %and3A_353 : vector<16xi32>
          %bitcast_convert_type3A_355 = tpu.bitcast %and3A_354 : vector<16xi32> -> vector<16xf32>
          %mul3A_356 = arith.mulf %bitcast_convert_type3A_355, %gather3A_336 : vector<16xf32>
          %add3A_357 = arith.addf %add3A_327, %mul3A_356 : vector<16xf32>
          %scan3A_358 = arith.constant 7 : i32
          %scan3A_359 = arith.addi %scan3A_150, %scan3A_358 : i32
          %broadcast_in_dim3A_360 = vector.broadcast %scan3A_359 : i32 to vector<16xi32>
          %gather3A_361 = tpu.vector_load_idx %arg13[%add3A_135, %broadcast_in_dim3A_360] : memref<128x128xf32, #tpu.memory_space<vmem>>[vector<16xi32>, vector<16xi32>], vector<16xf32>,
          %add3A_362 = arith.constant 64 : i32
          %add3A_363 = vector.broadcast %add3A_362 : i32 to vector<16xi32>
          %add3A_364 = arith.addi %broadcast_in_dim3A_360, %add3A_363 : vector<16xi32>
          %gather3A_365 = tpu.vector_load_idx %arg14[%add3A_135, %add3A_364] : memref<128x128xf32, #tpu.memory_space<vmem>>[vector<16xi32>, vector<16xi32>], vector<16xf32>,
          %gather3A_366 = tpu.vector_load_idx %arg16[%broadcast_in_dim3A_360] : memref<64xf32, #tpu.memory_space<vmem>>[vector<16xi32>], vector<16xf32>,
          %add3A_367 = arith.addf %gather3A_361, %gather3A_365 : vector<16xf32>
          %max3A_368 = arith.constant 0.000000e+00 : f32
          %max3A_369 = vector.broadcast %max3A_368 : f32 to vector<16xf32>
          %max3A_370 = arith.maximumf %add3A_367, %max3A_369 : vector<16xf32>
          %bitcast_convert_type3A_371 = tpu.bitcast %max3A_370 : vector<16xf32> -> vector<16xi32>
          %add3A_372 = arith.constant 32767 : i32
          %add3A_373 = vector.broadcast %add3A_372 : i32 to vector<16xi32>
          %add3A_374 = arith.addi %bitcast_convert_type3A_371, %add3A_373 : vector<16xi32>
          %shift_right_logical3A_375 = arith.constant 16 : i32
          %shift_right_logical3A_376 = vector.broadcast %shift_right_logical3A_375 : i32 to vector<16xi32>
          %shift_right_logical3A_377 = arith.shrui %bitcast_convert_type3A_371, %shift_right_logical3A_376 : vector<16xi32>
          %and3A_378 = arith.constant 1 : i32
          %and3A_379 = vector.broadcast %and3A_378 : i32 to vector<16xi32>
          %and3A_380 = arith.andi %shift_right_logical3A_377, %and3A_379 : vector<16xi32>
          %add3A_381 = arith.addi %add3A_374, %and3A_380 : vector<16xi32>
          %and3A_382 = arith.constant -65536 : i32
          %and3A_383 = vector.broadcast %and3A_382 : i32 to vector<16xi32>
          %and3A_384 = arith.andi %add3A_381, %and3A_383 : vector<16xi32>
          %bitcast_convert_type3A_385 = tpu.bitcast %and3A_384 : vector<16xi32> -> vector<16xf32>
          %mul3A_386 = arith.mulf %bitcast_convert_type3A_385, %gather3A_366 : vector<16xf32>
          %add3A_387 = arith.addf %add3A_357, %mul3A_386 : vector<16xf32>
          scf.yield %add3A_387 : vector<16xf32>
        }
        %scan3A_142 = arith.constant 64 : i32
        %mul3A_143 = arith.constant 128 : i32
        %mul3A_144 = arith.muli %add3A_94, %mul3A_143 : i32
        %mul3A_145 = arith.constant 16 : i32
        %mul3A_146 = arith.muli %scan3A_131, %mul3A_145 : i32
        %add3A_147 = arith.addi %mul3A_144, %mul3A_146 : i32
        %swap3A_148 = arith.index_cast %add3A_147 : i32 to index
        %swap3A_149 = tpu.vector_load %arg15[%swap3A_148] {strides = array<i32>} : memref<5120xf32, #tpu.memory_space<vmem>>, vector<16xf32>,
        tpu.vector_store %arg15[%swap3A_148], %scan3A_141 {strides = array<i32>} : memref<5120xf32, #tpu.memory_space<vmem>>, vector<16xf32>,
      }
      %scan3A_130 = arith.constant 8 : i32
    }
    %scan3A_85 = arith.constant 20 : i32
    %mul3A_86 = arith.constant 5120 : i32
    %mul3A_87 = arith.muli %add3A, %mul3A_86 : i32
    "tpu.region"() ({
      %run_scoped3A = tpu.sem_alloc : memref<!tpu.dma_semaphore, #tpu.memory_space<semaphore_mem>>
      %dma_start3A_88 = tpu.memref_slice %arg6[%mul3A_87] : memref<163840xf32, #tpu.memory_space<hbm>> -> memref<5120xf32, #tpu.memory_space<hbm>>
      %dma_start3A_89 = tpu.memref_slice %arg6[%mul3A_87] : memref<163840xf32, #tpu.memory_space<hbm>> -> memref<5120xf32, #tpu.memory_space<hbm>>
      tpu.enqueue_dma source(%arg15 : memref<5120xf32, #tpu.memory_space<vmem>>) target(%dma_start3A_89 : memref<5120xf32, #tpu.memory_space<hbm>>) target_semaphore(%run_scoped3A : memref<!tpu.dma_semaphore, #tpu.memory_space<semaphore_mem>>)
      %dma_wait3A = tpu.memref_slice %arg6[%mul3A_87] : memref<163840xf32, #tpu.memory_space<hbm>> -> memref<5120xf32, #tpu.memory_space<hbm>>
      %dma_wait3A_90 = tpu.memref_slice %arg6[%mul3A_87] : memref<163840xf32, #tpu.memory_space<hbm>> -> memref<5120xf32, #tpu.memory_space<hbm>>
      tpu.wait_dma2 semaphore(%run_scoped3A : memref<!tpu.dma_semaphore, #tpu.memory_space<semaphore_mem>>) src(%arg15 : memref<5120xf32, #tpu.memory_space<vmem>>) dst(%dma_wait3A_90 : memref<5120xf32, #tpu.memory_space<hbm>>)
      tpu.yield
    }) : () -> ()
    return
  }
}

module attributes {stable_mosaic.version = 14 : i64} {
  func.func @_proj_body(%arg0: i32, %arg1: memref<2000x256xbf16, #tpu.memory_space<vmem>>, %arg2: memref<256x64xbf16, #tpu.memory_space<vmem>>, %arg3: memref<256x64xbf16, #tpu.memory_space<vmem>>, %arg4: memref<1x64xf32, #tpu.memory_space<vmem>>, %arg5: memref<2000x128xf32, #tpu.memory_space<vmem>>) attributes {dimension_semantics = [#tpu.dimension_semantics<arbitrary>], iteration_bounds = array<i64: 5>, scalar_prefetch = 0 : i64, scratch_operands = 0 : i64, tpu.core_type = #tpu.core_type<tc>, window_params = [{transform_indices = @transform_0, window_bounds = array<i64: 2000, 256>}, {pipeline_mode = #tpu.pipeline_mode<synchronous>, transform_indices = @transform_1, window_bounds = array<i64: 256, 64>}, {pipeline_mode = #tpu.pipeline_mode<synchronous>, transform_indices = @transform_2, window_bounds = array<i64: 256, 64>}, {pipeline_mode = #tpu.pipeline_mode<synchronous>, transform_indices = @transform_3, window_bounds = array<i64: 1, 64>}, {transform_indices = @transform_4, window_bounds = array<i64: 2000, 128>}]} {
    %get3A = arith.constant 0 : index
    %get3A_0 = arith.constant 0 : index
    %get3A_1 = vector.load %arg1[%get3A, %get3A_0] : memref<2000x256xbf16, #tpu.memory_space<vmem>>, vector<2000x256xbf16>
    %get3A_2 = arith.constant 0 : index
    %get3A_3 = arith.constant 0 : index
    %get3A_4 = vector.load %arg2[%get3A_2, %get3A_3] : memref<256x64xbf16, #tpu.memory_space<vmem>>, vector<256x64xbf16>
    %dot_general3A = arith.constant dense<0.000000e+00> : vector<2000x64xf32>
    %dot_general3A_5 = tpu.matmul %get3A_1, %get3A_4, %dot_general3A {dimension_numbers = #tpu.dot_dimension_numbers<[1], [0], [0], [1], [0, 0, 1, 1], [], []>, transpose_lhs_hint = false} : vector<2000x256xbf16>, vector<256x64xbf16>, vector<2000x64xf32> -> vector<2000x64xf32>
    %get3A_6 = arith.constant 0 : index
    %get3A_7 = arith.constant 0 : index
    %get3A_8 = vector.load %arg4[%get3A_6, %get3A_7] : memref<1x64xf32, #tpu.memory_space<vmem>>, vector<1x64xf32>
    %add3A = vector.broadcast %get3A_8 : vector<1x64xf32> to vector<2000x64xf32>
    %add3A_9 = arith.addf %dot_general3A_5, %add3A : vector<2000x64xf32>
    %get3A_10 = arith.constant 0 : index
    %get3A_11 = arith.constant 0 : index
    %get3A_12 = vector.load %arg3[%get3A_10, %get3A_11] : memref<256x64xbf16, #tpu.memory_space<vmem>>, vector<256x64xbf16>
    %dot_general3A_13 = arith.constant dense<0.000000e+00> : vector<2000x64xf32>
    %dot_general3A_14 = tpu.matmul %get3A_1, %get3A_12, %dot_general3A_13 {dimension_numbers = #tpu.dot_dimension_numbers<[1], [0], [0], [1], [0, 0, 1, 1], [], []>, transpose_lhs_hint = false} : vector<2000x256xbf16>, vector<256x64xbf16>, vector<2000x64xf32> -> vector<2000x64xf32>
    %concatenate3A = tpu.concatenate %add3A_9, %dot_general3A_14 in 1 : vector<2000x64xf32>, vector<2000x64xf32> -> vector<2000x128xf32>
    %swap3A = arith.constant 0 : index
    %swap3A_15 = arith.constant 0 : index
    %swap3A_16 = vector.load %arg5[%swap3A, %swap3A_15] : memref<2000x128xf32, #tpu.memory_space<vmem>>, vector<2000x128xf32>
    tpu.vector_store %arg5[%swap3A, %swap3A_15], %concatenate3A {strides = array<i32>} : memref<2000x128xf32, #tpu.memory_space<vmem>>, vector<2000x128xf32>,
    return
  }
  func.func @transform_0(%arg0: i32) -> (i32, i32) {
    %c0_i32 = arith.constant 0 : i32
    %c0_i32_0 = arith.constant 0 : i32
    return %arg0, %c0_i32 : i32, i32
  }
  func.func @transform_1(%arg0: i32) -> (i32, i32) {
    %c0_i32 = arith.constant 0 : i32
    %c0_i32_0 = arith.constant 0 : i32
    %c0_i32_1 = arith.constant 0 : i32
    return %c0_i32, %c0_i32_0 : i32, i32
  }
  func.func @transform_2(%arg0: i32) -> (i32, i32) {
    %c0_i32 = arith.constant 0 : i32
    %c0_i32_0 = arith.constant 0 : i32
    %c0_i32_1 = arith.constant 0 : i32
    return %c0_i32, %c0_i32_0 : i32, i32
  }
  func.func @transform_3(%arg0: i32) -> (i32, i32) {
    %c0_i32 = arith.constant 0 : i32
    %c0_i32_0 = arith.constant 0 : i32
    %c0_i32_1 = arith.constant 0 : i32
    return %c0_i32, %c0_i32_0 : i32, i32
  }
  func.func @transform_4(%arg0: i32) -> (i32, i32) {
    %c0_i32 = arith.constant 0 : i32
    %c0_i32_0 = arith.constant 0 : i32
    return %arg0, %c0_i32 : i32, i32
  }
}

module attributes {stable_mosaic.version = 14 : i64} {
  func.func @_mask_body(%arg0: memref<1280x128xf32, #tpu.memory_space<vmem>>, %arg1: memref<1x1xi32, #tpu.memory_space<smem>>, %arg2: memref<1x1xf32, #tpu.memory_space<smem>>, %arg3: memref<1280x128xf32, #tpu.memory_space<vmem>>, %arg4: memref<1280x128xf32, #tpu.memory_space<vmem>>, %arg5: memref<1280x128xf32, #tpu.memory_space<vmem>>) attributes {dimension_semantics = [], scalar_prefetch = 0 : i64, scratch_operands = 0 : i64, tpu.core_type = #tpu.core_type<tc>} {
    %get3A = arith.constant 0 : index
    %get3A_0 = arith.constant 0 : index
    %get3A_1 = vector.load %arg0[%get3A, %get3A_0] : memref<1280x128xf32, #tpu.memory_space<vmem>>, vector<1280x128xf32>
    %get3A_2 = arith.constant 0 : index
    %get3A_3 = arith.constant 0 : index
    %get3A_4 = memref.load %arg2[%get3A_2, %get3A_3] : memref<1x1xf32, #tpu.memory_space<smem>>
    %add3A = vector.broadcast %get3A_4 : f32 to vector<1280x128xf32>
    %add3A_5 = arith.addf %get3A_1, %add3A : vector<1280x128xf32>
    %logistic3A = arith.negf %add3A_5 : vector<1280x128xf32>
    %logistic3A_6 = math.exp %logistic3A : vector<1280x128xf32>
    %logistic3A_7 = arith.constant 1.000000e+00 : f32
    %logistic3A_8 = vector.broadcast %logistic3A_7 : f32 to vector<1280x128xf32>
    %logistic3A_9 = arith.addf %logistic3A_8, %logistic3A_6 : vector<1280x128xf32>
    %logistic3A_10 = arith.divf %logistic3A_8, %logistic3A_9 : vector<1280x128xf32>
    %bitcast_convert_type3A = tpu.bitcast %logistic3A_10 : vector<1280x128xf32> -> vector<1280x128xi32>
    %iota3A = tpu.iota {dimensions = array<i32: 0>} : vector<1280x128xi32>
    %iota3A_11 = tpu.iota {dimensions = array<i32: 1>} : vector<1280x128xi32>
    %mul3A = arith.constant 128 : i32
    %mul3A_12 = vector.broadcast %mul3A : i32 to vector<1280x128xi32>
    %mul3A_13 = arith.muli %iota3A, %mul3A_12 : vector<1280x128xi32>
    %add3A_14 = arith.addi %mul3A_13, %iota3A_11 : vector<1280x128xi32>
    %lt3A = arith.constant 160000 : i32
    %lt3A_15 = vector.broadcast %lt3A : i32 to vector<1280x128xi32>
    %lt3A_16 = arith.cmpi slt, %add3A_14, %lt3A_15 : vector<1280x128xi32>
    %jit3A = arith.constant -1 : i32
    %broadcast_in_dim3A = vector.broadcast %jit3A : i32 to vector<1280x128xi32>
    %select_n3A = arith.select %lt3A_16, %bitcast_convert_type3A, %broadcast_in_dim3A : vector<1280x128xi1>, vector<1280x128xi32>
    %get3A_17 = arith.constant 0 : index
    %get3A_18 = arith.constant 0 : index
    %get3A_19 = memref.load %arg1[%get3A_17, %get3A_18] : memref<1x1xi32, #tpu.memory_space<smem>>
    %scan3A = arith.constant 0 : i32
    %scan3A_20 = arith.constant 0 : i32
    %scan3A_21 = arith.constant 31 : i32
    %scan3A_22 = arith.addi %scan3A_20, %scan3A_21 : i32
    %scan3A_23 = arith.constant 1 : i32
    %scan3A_24 = scf.for %scan3A_37 = %scan3A_20 to %scan3A_22 step %scan3A_23 iter_args(%scan3A_38 = %scan3A) -> (i32)  : i32 {
      %sub3A = arith.constant 30 : i32
      %sub3A_39 = arith.subi %sub3A, %scan3A_37 : i32
      %shift_left3A = arith.constant 1 : i32
      %shift_left3A_40 = arith.shli %shift_left3A, %sub3A_39 : i32
      %or3A = arith.ori %scan3A_38, %shift_left3A_40 : i32
      %ge3A = vector.broadcast %or3A : i32 to vector<1280x128xi32>
      %ge3A_41 = arith.cmpi sge, %select_n3A, %ge3A : vector<1280x128xi32>
      %convert_element_type3A_42 = arith.extui %ge3A_41 : vector<1280x128xi1> to vector<1280x128xi32>
      %reduce_sum3A = vector.shape_cast %convert_element_type3A_42 : vector<1280x128xi32> to vector<1x1280x128xi32>
      %reduce_sum3A_43 = arith.constant dense<0> : vector<1xi32>
      %reduce_sum3A_44 = vector.multi_reduction <add>, %reduce_sum3A, %reduce_sum3A_43 [1, 2] : vector<1x1280x128xi32> to vector<1xi32>
      %reduce_sum3A_45 = vector.shape_cast %reduce_sum3A_44 : vector<1xi32> to vector<1x1x1xi32>
      %reduce_sum3A_46 = vector.extract %reduce_sum3A_45[0, 0, 0] : i32 from vector<1x1x1xi32>
      %ge3A_47 = arith.cmpi sge, %reduce_sum3A_46, %get3A_19 : i32
      %select_n3A_48 = arith.select %ge3A_47, %or3A, %scan3A_38 : i32
      scf.yield %select_n3A_48 : i32
    }
    %scan3A_25 = arith.constant 31 : i32
    %gt3A = vector.broadcast %scan3A_24 : i32 to vector<1280x128xi32>
    %gt3A_26 = arith.cmpi sgt, %select_n3A, %gt3A : vector<1280x128xi32>
    %convert_element_type3A = arith.extui %gt3A_26 : vector<1280x128xi1> to vector<1280x128xi32>
    %convert_element_type3A_27 = arith.sitofp %convert_element_type3A : vector<1280x128xi32> to vector<1280x128xf32>
    %swap3A = arith.constant 0 : index
    %swap3A_28 = arith.constant 0 : index
    %swap3A_29 = vector.load %arg3[%swap3A, %swap3A_28] : memref<1280x128xf32, #tpu.memory_space<vmem>>, vector<1280x128xf32>
    tpu.vector_store %arg3[%swap3A, %swap3A_28], %logistic3A_10 {strides = array<i32>} : memref<1280x128xf32, #tpu.memory_space<vmem>>, vector<1280x128xf32>,
    %swap3A_30 = arith.constant 0 : index
    %swap3A_31 = arith.constant 0 : index
    %swap3A_32 = vector.load %arg4[%swap3A_30, %swap3A_31] : memref<1280x128xf32, #tpu.memory_space<vmem>>, vector<1280x128xf32>
    tpu.vector_store %arg4[%swap3A_30, %swap3A_31], %convert_element_type3A_27 {strides = array<i32>} : memref<1280x128xf32, #tpu.memory_space<vmem>>, vector<1280x128xf32>,
    %mul3A_33 = arith.mulf %logistic3A_10, %convert_element_type3A_27 : vector<1280x128xf32>
    %swap3A_34 = arith.constant 0 : index
    %swap3A_35 = arith.constant 0 : index
    %swap3A_36 = vector.load %arg5[%swap3A_34, %swap3A_35] : memref<1280x128xf32, #tpu.memory_space<vmem>>, vector<1280x128xf32>
    tpu.vector_store %arg5[%swap3A_34, %swap3A_35], %mul3A_33 {strides = array<i32>} : memref<1280x128xf32, #tpu.memory_space<vmem>>, vector<1280x128xf32>,
    return
  }
}

</mosaic_0001>

<sc_bundles>
// kernel: kernel.5.cloned.1.call-start
scs
__scs_entry_jumppad:
0x0: {  	(pc) =	sbr.rel $0x88, $3  }
0x1: {  	(tag) =	ssettag $0x0;
	lr =	simm.s32 $0x1  }
0x2: {  	[smem:$0x3F9A] =	sst lr;
	_ =	strace $0xD0000000  }
0x3: {  	_ = 	snop  }
0x4: {  	_ = 	snop  }
0x5: {  	_ = 	snop  }
0x6: {  	_ = 	snop  }
0x7: {  	_ = 	snop  }
__scs_overlays_trampoline_lowered:
0x8: {  	[smem:$0x3FA9] =	sst s0  }
0x9: {  	[smem:$0x3FAA] =	sst s1  }
0xa: {  	[smem:$0x3FAB] =	sst s2  }
0xb: {  	[smem:$0x3FAC] =	sst s3  }
0xc: {  	[smem:$0x3FAD] =	sst s4  }
0xd: {  	[smem:$0x3FAE] =	sst s5  }
0xe: {  	[smem:$0x3FAF] =	sst s6  }
0xf: {  	[smem:$0x3FB0] =	sst s7  }
0x10: {  	[smem:$0x3FB1] =	sst s8  }
0x11: {  	[smem:$0x3FB2] =	sst s9;
	s0 =	simm.s32 @!p0 $0x0  }
0x12: {  	s1 =	sld [smem:$0x3F98];
	s0 =	simm.s32 @p0 $0x1  }
0x13: {  	[smem:$0x3FB3] =	sst s0;
	s0 =	simm.s32 @!p1 $0x0  }
0x14: {  	s2 =	sld [smem:$0x3F97];
	s0 =	simm.s32 @p1 $0x1  }
0x15: {  	[smem:$0x3FB4] =	sst s0;
	s0 =	simm.s32 @!p2 $0x0  }
0x16: {  	s3 =	sld [smem:$0x3FDB];
	s0 =	simm.s32 @p2 $0x1  }
0x17: {  	s4 =	simm.s32 $0x1BF5;
	[smem:$0x3FB6] =	sst s0  }
0x18: {  	s0 =	sld [smem:$0x3F99];
	_ =	swait.ge [sflag:s4], $0x0  }
0x19: {  	s7 =	sld [smem:$0x3F9A]  }
0x1a: {  	s8 =	sadd.s32 $0xFFFFE003, lr  }
0x1b: {  	s9 =	sadd.s32 $0xFFFFFEF7, lr;
	s5 =	simm.s32 $0xFFFFFFFF;
	p2 =	slt.u32 s8, $0xFFFFF086  }
0x1c: {  	p1 =	slt.u32 s9, $0xF7A;
	s5 =	simm.s32 @!p2 $0x0  }
0x1d: {  	s5 =	simm.s32 @p1 $0x1;
	p0 =	seq.s32 s7, s2  }
0x1e: {  	s7 =	smul.u32 @!p0 $0xF7A, s2;
	p2 =	seq.s32 @!p0 s5, $0x0  }
0x1f: {  	s9 =	smul.u32 $0xF7A, s1;
	s8 =	simm.s32 @!p0 $0x1BF5;
	p2 =	por !p2, p0  }
0x20: {  	[sflag:s8] =	ssyncset.s32 @!p0 $0xFFFFF086;
	s6 =	sadd.s32 @!p0 s3, s7;
	s7 =	simm.s32 @!p0 $0x108  }
0x21: {  	s3 =	sadd.s32 s3, s9;
	s6 =	sadd.s32 @!p0 $0x88, s6;
	s7 =	simm.s32 @p2 $0x1082  }
0x22: {  	[simem:s7], [sflag:s8] =	dma.local @!p0 [hbm:s6], $0xF7A  }
0x23: {  	s9 =	sor.u32 $0xD0000000, s2;
	s6 =	simm.s32 $0x108;
	_ =	swait.ge @!p0 [sflag:s8], $0x0  }
0x24: {  	s3 =	sadd.s32 $0x88, s3;
	s6 =	simm.s32 @!p1 $0x1082;
	[sflag:s4] =	ssyncset.s32 $0xFFFFF086  }
0x25: {  	[simem:s6], [sflag:s4] =	dma.local [hbm:s3], $0xF7A  }
0x26: {  	[smem:$0x3F9A] =	sst s1;
	(tag) =	ssettag s2;
	_ =	strace s9  }
0x27: {  	s1 =	sld [smem:$0x3FAA]  }
0x28: {  	s2 =	sld [smem:$0x3FAB]  }
0x29: {  	s4 =	sld [smem:$0x3FAD]  }
0x2a: {  	p0 =	seq.s32 s5, $0x0;
	s5 =	sld [smem:$0x3FAE]  }
0x2b: {  	s6 =	sld [smem:$0x3FAF]  }
0x2c: {  	s7 =	sld [smem:$0x3FB0]  }
0x2d: {  	s3 =	simm.s32 $0x108;
	s8 =	sld [smem:$0x3FB1]  }
0x2e: {  	s3 =	simm.s32 @!p0 $0x1082;
	s9 =	sld [smem:$0x3FB2]  }
0x2f: {  	lr =	sadd.s32 s0, s3;
	s0 =	sld [smem:$0x3FA9]  }
0x30: {  	s3 =	sld [smem:$0x3FAC]  }
0x31: {  	[smem:$0x3FB5] =	sst s10  }
0x32: {  	s10 =	sld [smem:$0x3FB3];
	_ =	sdelay $0x3  }
0x33: {  	p0 =	seq.s32 s10, $0x1;
	s10 =	sld [smem:$0x3FB5];
	_ =	sdelay $0x3  }
0x34: {  	[smem:$0x3FB5] =	sst s10  }
0x35: {  	s10 =	sld [smem:$0x3FB4];
	_ =	sdelay $0x3  }
0x36: {  	p1 =	seq.s32 s10, $0x1;
	s10 =	sld [smem:$0x3FB5];
	_ =	sdelay $0x3  }
0x37: {  	[smem:$0x3FB5] =	sst s10  }
0x38: {  	s10 =	sld [smem:$0x3FB6]  }
0x39: {  	_ = 	snop;
	(pc) =	sbr.ind lr, $3  }
0x3a: {  	_ = 	snop  }
0x3b: {  	_ = 	snop  }
0x3c: {  	p2 =	seq.s32 s10, $0x1;
	s10 =	sld [smem:$0x3FB5]  }
0x3d: {  	_ =	shalt  }
0x3e: {  	_ =	shalt  }
0x3f: {  	_ =	shalt  }
0x40: {  	_ =	shalt  }
0x41: {  	_ =	shalt  }
0x42: {  	_ =	shalt  }
0x43: {  	_ =	shalt  }
0x44: {  	_ =	shalt  }
0x45: {  	_ =	shalt  }
0x46: {  	_ =	shalt  }
0x47: {  	_ =	shalt  }
0x48: {  	_ =	shalt  }
0x49: {  	_ =	shalt  }
0x4a: {  	_ =	shalt  }
0x4b: {  	_ =	shalt  }
0x4c: {  	_ =	shalt  }
0x4d: {  	_ =	shalt  }
0x4e: {  	_ =	shalt  }
0x4f: {  	_ =	shalt  }
0x50: {  	_ =	shalt  }
0x51: {  	_ =	shalt  }
0x52: {  	_ =	shalt  }
0x53: {  	_ =	shalt  }
0x54: {  	_ =	shalt  }
0x55: {  	_ =	shalt  }
0x56: {  	_ =	shalt  }
0x57: {  	_ =	shalt  }
0x58: {  	_ =	shalt  }
0x59: {  	_ =	shalt  }
0x5a: {  	_ =	shalt  }
0x5b: {  	_ =	shalt  }
0x5c: {  	_ =	shalt  }
0x5d: {  	_ =	shalt  }
0x5e: {  	_ =	shalt  }
0x5f: {  	_ =	shalt  }
0x60: {  	_ =	shalt  }
0x61: {  	_ =	shalt  }
0x62: {  	_ =	shalt  }
0x63: {  	_ =	shalt  }
0x64: {  	_ =	shalt  }
0x65: {  	_ =	shalt  }
0x66: {  	_ =	shalt  }
0x67: {  	_ =	shalt  }
0x68: {  	_ =	shalt  }
0x69: {  	_ =	shalt  }
0x6a: {  	_ =	shalt  }
0x6b: {  	_ =	shalt  }
0x6c: {  	_ =	shalt  }
0x6d: {  	_ =	shalt  }
0x6e: {  	_ =	shalt  }
0x6f: {  	_ =	shalt  }
0x70: {  	_ =	shalt  }
0x71: {  	_ =	shalt  }
0x72: {  	_ =	shalt  }
0x73: {  	_ =	shalt  }
0x74: {  	_ =	shalt  }
0x75: {  	_ =	shalt  }
0x76: {  	_ =	shalt  }
0x77: {  	_ =	shalt  }
0x78: {  	_ =	shalt  }
0x79: {  	_ =	shalt  }
0x7a: {  	_ =	shalt  }
0x7b: {  	_ =	shalt  }
0x7c: {  	_ =	shalt  }
0x7d: {  	_ =	shalt  }
0x7e: {  	_ =	shalt  }
0x7f: {  	_ =	shalt  }
0x80: {  	_ =	shalt  }
0x81: {  	_ =	shalt  }
0x82: {  	_ =	shalt  }
0x83: {  	_ =	shalt  }
0x84: {  	_ =	shalt  }
0x85: {  	_ =	shalt  }
0x86: {  	_ =	shalt  }
0x87: {  	_ =	shalt  }
.Lfunc_end0:
.L_simem_size_0:
called_computation_lowered:
.L_overlay_start_0:
0x88: {  	s2 =	sld [smem:$0x3FD9]  }
0x89: {  	s3 =	sld [smem:$0x3FFE];
	_ =	sdelay $0x1  }
0x8a: {  	s1 =	srdreg.scid  }
0x8b: {  	s0 =	sand.u32 $0x1, s1  }
0x8c: {  	s17 =	sshll.u32 s0, $0xA;
	s2 =	sadd.s32 s3, s2  }
0x8d: {  	s2 =	sadd.s32 s2, s17  }
0x8e: {  	[smem:$0x3FC1] =	sst s2  }
0x8f: {  	_ = 	snop  }
0x90: {  	s2 =	sld [smem:$0x3FC5];
	(tm) =	ssettm $0x1  }
0x91: {  	s18 =	sld [smem:$0x3FFB];
	_ =	sdelay $0x3  }
0x92: {  	_ =	strace s18  }
0x93: {  	s3 =	sld [smem:$0x3FFC];
	_ =	sdelay $0x3  }
0x94: {  	_ =	strace s3  }
0x95: {  	s3 =	sld [smem:$0x3FFD];
	_ =	sdelay $0x3  }
0x96: {  	_ =	strace s3  }
0x97: {  	_ =	strace $0x8FFFFFFF  }
0x98: {  	s19 =	sld [smem:$0x3FDB];
	_ =	sdelay $0x1  }
0x99: {  	s4 =	simm.s32 $_scs_section_size  }
0x9a: {  	s5 =	simm.s32 $_size__tile_overlayer_lowered;
	s6 =	simm.s32 $_tile_overlayer_lowered  }
0x9b: {  	s22 =	simm.s32 $0x1BFF;
	s21 =	sshll.u32 s6, $0x1;
	s3 =	sadd.s32 s4, s19  }
0x9c: {  	s7 =	simm.s32 $0x0;
	s20 =	sshll.u32 s5, $0x1;
	s5 =	sadd.s32 s21, s3  }
0x9d: {  	[timem:s7], [sflag:s22] =	dma.local [hbm:s5], s20  }
0x9e: {  	_ =	swait.ge [sflag:s22], s20  }
0x9f: {  	s4 =	ssub.s32 $0x0, s20;
	[sflag:s22] =	ssyncset.done $0x0  }
0xa0: {  	[sflag:s22] =	ssyncadd.s32 s4;
	_ =	sdelay $0x1  }
0xa1: {  	s23 =	simm.s32 $0x1B8B  }
0xa2: {  	_ =	swait.ge [sflag:s23], $0x1  }
0xa3: {  	[sflag:s23] =	ssyncset.done $0x0  }
0xa4: {  	s25 =	simm.s32 $0x1B8E;
	s24 =	sld [smem:$0x3FFE];
	[sflag:s23] =	ssyncadd.s32 $0xFFFFFFFF  }
0xa5: {  	s26 =	simm.s32 $execute0_lowered;
	[smem:$0x3FD2] =	sst s25  }
0xa6: {  	s5 =	sshll.u32 s26, $0x1;
	_ =	strace $0x80000046;
	[dreg:$0x1] =	wrdreg $0xFFFFFFFF  }
0xa7: {  	s28 =	simm.s32 $_size_execute0_lowered;
	s3 =	sadd.s32 s3, s5;
	[dreg:$0x0] =	wrdreg $0x0  }
0xa8: {  	s5 =	sshll.u32 s28, $0x1;
	[dreg:$0x2] =	wrdreg s3  }
0xa9: {  	[dreg:$0x3] =	wrdreg s5  }
0xaa: {  	[dreg:$0x4] =	wrdreg $0xC0  }
0xab: {  	_ =	task [dreg:s7], $0x5FFFF  }
0xac: {  	[dreg:$0x1] =	wrdreg $0xFFFFFFFF  }
0xad: {  	[dreg:$0x0] =	wrdreg $0x60  }
0xae: {  	[dreg:$0x2] =	wrdreg s24  }
0xaf: {  	[dreg:$0x3] =	wrdreg s2  }
0xb0: {  	[dreg:$0x4] =	wrdreg $0x9  }
0xb1: {  	_ =	task.clear_ibuf [dreg:s7], $0x5FFFF;
	_ =	strace $0x90000046  }
0xb2: {  	s29 =	simm.s32 $0x9;
	_ =	strace $0x80000048  }
0xb3: {  	_ =	swait.ge [sflag:s29], $0x1  }
0xb4: {  	[sflag:s29] =	ssyncadd.s32 $0xFFFFFFFF  }
0xb5: {  	_ =	strace $0x90000048  }
0xb6: {  	_ =	sfence  }
0xb7: {  	s30 =	sld [smem:$0x0];
	_ =	sdelay $0x2  }
0xb8: {  	s31 =	sshll.u32 s1, $0xD;
	s1 =	sshrl.u32 s1, $0x2  }
0xb9: {  	s3 =	sand.u32 $0x4000, s31;
	s1 =	sadd.s32 s1, s30  }
0xba: {  	s0 =	sor.u32 s3, s0;
	s1 =	sshll.u32 s1, $0x11  }
0xbb: {  	s0 =	sor.u32 s1, s0  }
0xbc: {  	s0 =	sadd.s32 $0x8F2B, s0  }
0xbd: {  	[sflag:s0] =	ssyncadd.remote.s32 $0x1  }
0xbe: {  	_ =	sfence.sel $0xFFFF  }
0xbf: {  	[dreg:$0x0] =	wrdreg $0xFFFFFFFF;
	(pc) =	sbr.abs _section_cstart, $3  }
0xc0: {  	[dreg:$0x1] =	wrdreg $0xFFFFFFFF  }
0xc1: {  	_ =	task.clear_ibuf [dreg:s7], $0x2FFFF;
	_ =	strace $0x9FFFFFFF  }
0xc2: {  	(tm) =	ssettm $0x7FFFFFFF  }
0xc3: {  	_ =	shalt  }
tec
execute0_lowered:
.L_overlay_start_1:
0x0: {  	(tag) =	ssettag $0x1  }
0x1: {  	s0 =	rddreg [dreg:$0x0]  }
0x2: {  	s1 =	srdreg.scid;
	s2 =	stileid.u32  }
0x3: {  	s4 =	simm.s32 $0x0;
	s13 =	simm.s32 $0x11600;
	s14 =	simm.s32 $0x5  }
0x4: {  	s15 =	simm.s32 $0x80;
	s16 =	simm.s32 $0x200;
	s17 =	simm.s32 $0x4200  }
0x5: {  	s19 =	simm.s32 $0x180;
	s20 =	simm.s32 $0x8200;
	s21 =	simm.s32 $0xC200  }
0x6: {  	s22 =	simm.s32 $0x1;
	s1 =	sand.u32 $0x1, s1;
	s2 =	sshll.u32 s2, $0x1  }
0x7: {  	s23 =	simm.s32 $0x2;
	s24 =	simm.s32 $0x3;
	s2 =	sor.u32 s1, s2  }
0x8: {  	[smem:$0x7FF] =	sst s4;
	s1 =	ssub.s32 $0x2, s1;
	s8 =	smul.u32 $0x1400, s2  }
0x9: {  	s5 =	sadd.s32 $0xAA00, s0;
	s6 =	sadd.s32 $0xA00, s0;
	s3 =	sshrl.u32 s1, $0x1  }
0xa: {  	_ =	strace $0x80000047;
	s1 =	ssub.s32 s1, s3;
	s30 =	sor.u32 $0x100, s8  }
0xb: {  	s2 =	sshrl.u32 s8, $0x3;
	s31 =	smax.u32 s1, $0x1;
	[dreg:$0x5] =	wrdreg s30  }
0xc: {  	s7 =	sadd.s32 $0x5A00, s0;
	s29 =	sadd.s32 s6, s2;
	[dreg:$0x7] =	wrdreg s31  }
0xd: {  	s0 =	sadd.s32 s2, s0;
	s2 =	sadd.s32 s7, s2;
	[dreg:$0x3] =	wrdreg s29  }
0xe: {  	v0 =	vlaneseq.u32;
	s25 =	simm.s32 $0x4;
	[dreg:$0x4] =	wrdreg s2;
	s0 =	sadd.s32 $0x31C00, s0  }
0xf: {  	v0 =	vmul.u32 $0x80, v0;
	s18 =	smov.u32 s8;
	s1 =	simm.s32 $0x0;
	[dreg:$0x6] =	wrdreg s0  }
.LBB2_1:
0x10: {  	[dreg:$0x8] =	wrdreg s1  }
0x11: {  	s0 =	rddreg [dreg:$0x1]  }
0x12: {  	[tilespmem:s13], [sflag:$0x5] =	stream.linear.gather [hbm4b:s0+s4], $0x80, $0x38;
	[tilespmem:$0x11680] =	vst v63  }
0x13: {  	_ =	swait.ge [sflag:s14], $0x80  }
0x14: {  	[sflag:s14] =	ssyncset.done $0x0  }
0x15: {  	[sflag:s14] =	ssyncadd.s32 $0xFFFFFF80  }
0x16: {  	v1 =	vld [tilespmem:$0x11600]  }
0x17: {  	v2 =	vld [tilespmem:$0x11610]  }
0x18: {  	v3 =	vld [tilespmem:$0x11620]  }
0x19: {  	v4 =	vld [tilespmem:$0x11630];
	_ =	sdelay $0x3  }
0x1a: {  	v5 =	vshrl.u32 v1, $0x10;
	v6 =	vshrl.u32 v2, $0x10  }
0x1b: {  	v7 =	vshrl.u32 v3, $0x10;
	v63 =	vshrl.u32 v4, $0x10;
	v5 =	vand.u32 $0x1, v5  }
0x1c: {  	v6 =	vand.u32 $0x1, v6;
	v62 =	vand.u32 $0x1, v7;
	v1 =	vadd.s32 v5, v1  }
0x1d: {  	v2 =	vadd.s32 v6, v2;
	v3 =	vadd.s32 v62, v3;
	v1 =	vadd.s32 $0x7FFF, v1  }
0x1e: {  	v5 =	vand.u32 $0x1, v63;
	v2 =	vadd.s32 $0x7FFF, v2;
	v1 =	vand.u32 $0xFFFF0000, v1  }
0x1f: {  	v3 =	vadd.s32 $0x7FFF, v3;
	v2 =	vand.u32 $0xFFFF0000, v2;
	[tilespmem:$0x11600] =	vst v1;
	v1 =	vadd.s32 v5, v4  }
0x20: {  	[tilespmem:$0x11610] =	vst v2;
	v2 =	vand.u32 $0xFFFF0000, v3;
	v1 =	vadd.s32 $0x7FFF, v1  }
0x21: {  	[tilespmem:$0x11620] =	vst v2;
	v1 =	vand.u32 $0xFFFF0000, v1  }
0x22: {  	s30 =	rddreg [dreg:$0x3];
	[tilespmem:$0x11630] =	vst v1  }
0x23: {  	[tilespmem:s4], [sflag:$0x5] =	stream.linear.gather [hbm4b:s30+s4], $0x80, $0x38;
	[tilespmem:$0x11680] =	vst v63  }
0x24: {  	_ =	swait.ge [sflag:s14], $0x80  }
0x25: {  	[sflag:s14] =	ssyncset.done $0x0  }
0x26: {  	s31 =	rddreg [dreg:$0x4];
	[sflag:s14] =	ssyncadd.s32 $0xFFFFFF80  }
0x27: {  	[tilespmem:s15], [sflag:$0x5] =	stream.linear.gather [hbm4b:s31+s4], $0x80, $0x38;
	[tilespmem:$0x11680] =	vst v63  }
0x28: {  	_ =	swait.ge [sflag:s14], $0x80  }
0x29: {  	[sflag:s14] =	ssyncset.done $0x0  }
0x2a: {  	[sflag:s14] =	ssyncadd.s32 $0xFFFFFF80  }
0x2b: {  	[tilespmem:s16], [sflag:$0x1] =	stream.indirect.gather [hbm4b:s5+s15], $0x80, s4, s15, $0xb8;
	[tilespmem:$0x11680] =	vst v63  }
0x2c: {  	s29 =	simm.s32 $0x0  }
0x2d: {  	[tilespmem:s17], [sflag:$0x2] =	stream.indirect.gather [hbm4b:s5+s15], $0x80, s15, s15, $0xb8;
	[tilespmem:$0x11680] =	vst v63  }
.LBB2_2:
0x2e: {  	s31 =	sshll.u32 s29, $0x8  }
0x2f: {  	s30 =	sor.u32 $0x80, s31  }
0x30: {  	s0 =	sadd.s32 s18, s30  }
0x31: {  	s0 =	sshrl.u32 s0, $0x3  }
0x32: {  	s1 =	simm.s32 $0x0;
	s3 =	simm.s32 $0x100;
	s2 =	sadd.s32 s6, s0  }
0x33: {  	[tilespmem:s3], [sflag:$0x5] =	stream.linear.gather [hbm4b:s2+s1], $0x80, $0x38;
	[tilespmem:$0x11680] =	vst v63  }
0x34: {  	_ =	swait.ge [sflag:s14], $0x80  }
0x35: {  	[sflag:s14] =	ssyncset.done $0x0  }
0x36: {  	s0 =	sadd.s32 s7, s0;
	[sflag:s14] =	ssyncadd.s32 $0xFFFFFF80  }
0x37: {  	[tilespmem:s19], [sflag:$0x5] =	stream.linear.gather [hbm4b:s0+s1], $0x80, $0x38;
	[tilespmem:$0x11680] =	vst v63  }
0x38: {  	_ =	swait.ge [sflag:s14], $0x80  }
0x39: {  	[sflag:s14] =	ssyncset.done $0x0  }
0x3a: {  	[sflag:s14] =	ssyncadd.s32 $0xFFFFFF80  }
0x3b: {  	[tilespmem:s20], [sflag:$0x3] =	stream.indirect.gather [hbm4b:s5+s15], $0x80, s3, s15, $0xb8;
	[tilespmem:$0x11680] =	vst v63  }
0x3c: {  	_ = 	snop  }
0x3d: {  	[tilespmem:s21], [sflag:$0x4] =	stream.indirect.gather [hbm4b:s5+s15], $0x80, s19, s15, $0xb8;
	[tilespmem:$0x11680] =	vst v63  }
0x3e: {  	_ =	swait.ge [sflag:s22], $0x4000  }
0x3f: {  	[sflag:s22] =	ssyncset.done $0x0  }
0x40: {  	[sflag:s22] =	ssyncadd.s32 $0xFFFFC000  }
0x41: {  	s28 =	sand.u32 $0x3FFFFF00, s31;
	_ =	swait.ge [sflag:s23], $0x4000  }
0x42: {  	s0 =	sadd.s32 $0x10200, s28;
	[sflag:s23] =	ssyncset.done $0x0  }
0x43: {  	v1 =	vmov s0;
	s0 =	simm.s32 $0x0;
	[sflag:s23] =	ssyncadd.s32 $0xFFFFC000  }
.LBB2_3:
0x44: {  	s2 =	sshll.u32 s0, $0x4  }
0x45: {  	v2 =	vmov s2  }
0x46: {  	v2 =	vshll.u32 v2, $0x7  }
0x47: {  	v2 =	vor.u32 v0, v2  }
0x48: {  	s3 =	simm.s32 $0x7;
	v4 =	vor.u32 s1, v2  }
0x49: {  	s4 =	simm.s32 $0x6;
	v6 =	vor.u32 s3, v2  }
0x4a: {  	s9 =	simm.s32 $0x4;
	v8 =	vor.u32 s4, v2  }
0x4b: {  	s11 =	simm.s32 $0x3;
	v12 =	vor.u32 s9, v2  }
0x4c: {  	s10 =	simm.s32 $0x1;
	v14 =	vor.u32 s11, v2  }
0x4d: {  	v3 =	vor.u32 $0x40, v2;
	v18 =	vor.u32 s10, v2;
	v10 =	vld.idx.msk [tilespmem:v4+s16+$0x0], $0xffff  }
0x4e: {  	v5 =	vor.u32 s1, v3;
	v6 =	vld.idx.msk [tilespmem:v6+s16+$0x0], $0xffff  }
0x4f: {  	v7 =	vor.u32 s3, v3;
	v8 =	vld.idx.msk [tilespmem:v8+s16+$0x0], $0xffff  }
0x50: {  	v9 =	vor.u32 s4, v3;
	v12 =	vld.idx.msk [tilespmem:v12+s16+$0x0], $0xffff  }
0x51: {  	s8 =	simm.s32 $0x5;
	v13 =	vor.u32 s9, v3;
	v14 =	vld.idx.msk [tilespmem:v14+s16+$0x0], $0xffff  }
0x52: {  	v4 =	vor.u32 s8, v2;
	v18 =	vld.idx.msk [tilespmem:v18+s16+$0x0], $0xffff  }
0x53: {  	v15 =	vor.u32 s11, v3;
	v5 =	vld.idx.msk [tilespmem:v5+s17+$0x0], $0xffff  }
0x54: {  	v21 =	vor.u32 s10, v3;
	v7 =	vld.idx.msk [tilespmem:v7+s17+$0x0], $0xffff  }
0x55: {  	s12 =	simm.s32 $0x2;
	v19 =	vimm.f32 $0.0e+00;
	v11 =	vor.u32 s8, v3;
	v9 =	vld.idx.msk [tilespmem:v9+s17+$0x0], $0xffff  }
0x56: {  	v20 =	vmov s1;
	v24 =	vmov s4;
	v17 =	vor.u32 s12, v3;
	v13 =	vld.idx.msk [tilespmem:v13+s17+$0x0], $0xffff  }
0x57: {  	v26 =	vmov s3;
	v27 =	vmov s9;
	v16 =	vld.idx.msk [tilespmem:v4+s16+$0x0], $0xffff;
	v4 =	vor.u32 s12, v2  }
0x58: {  	s28 =	simm.s32 $0x8;
	s26 =	simm.s32 $0xF;
	v28 =	vmov s8;
	v31 =	vmov s11;
	v34 =	vmov s12;
	v15 =	vld.idx.msk [tilespmem:v15+s17+$0x0], $0xffff  }
0x59: {  	v37 =	vmov s10;
	v22 =	vor.u32 s28, v2;
	v29 =	vor.u32 s26, v2;
	s9 =	simm.s32 $0xD;
	v21 =	vld.idx.msk [tilespmem:v21+s17+$0x0], $0xffff  }
0x5a: {  	v23 =	vor.u32 s28, v3;
	v30 =	vor.u32 s26, v3;
	s11 =	simm.s32 $0xB;
	s3 =	simm.s32 $0xC;
	v35 =	vor.u32 s9, v2;
	v11 =	vld.idx.msk [tilespmem:v11+s17+$0x0], $0xffff  }
0x5b: {  	v36 =	vor.u32 s9, v3;
	v38 =	vor.u32 s11, v2;
	v39 =	vor.u32 s3, v2;
	v17 =	vld.idx.msk [tilespmem:v17+s17+$0x0], $0xffff  }
0x5c: {  	v40 =	vor.u32 s3, v3;
	s8 =	simm.s32 $0xE;
	v10 =	vadd.f32 v5, v10;
	v7 =	vadd.f32 v7, v6;
	v25 =	vld.idx.msk [tilespmem:v4+s16+$0x0], $0xffff  }
0x5d: {  	v32 =	vor.u32 s8, v2;
	v8 =	vadd.f32 v9, v8;
	v9 =	vadd.f32 v15, v14  }
0x5e: {  	v33 =	vor.u32 s8, v3;
	v12 =	vadd.f32 v13, v12;
	v13 =	vadd.f32 v21, v18  }
0x5f: {  	v10 =	vmax.f32 v10, $0.0e+00;
	v18 =	vmax.f32 v7, $0.0e+00;
	v9 =	vmax.f32 v9, $0.0e+00  }
0x60: {  	v13 =	vmax.f32 v13, $0.0e+00;
	v7 =	vshrl.u32 v10, $0x10;
	v11 =	vadd.f32 v11, v16  }
0x61: {  	v16 =	vmax.f32 v8, $0.0e+00;
	v8 =	vand.u32 $0x1, v7;
	v14 =	vadd.f32 v17, v25  }
0x62: {  	v41 =	vshrl.u32 v9, $0x10;
	v8 =	vadd.s32 v8, v10;
	v10 =	vshrl.u32 v13, $0x10  }
0x63: {  	v15 =	vmax.f32 v11, $0.0e+00;
	v11 =	vmax.f32 v14, $0.0e+00;
	v14 =	vmax.f32 v12, $0.0e+00;
	v12 =	vld.idx.msk [tilespmem:v20+s13+$0x0], $0xffff  }
0x64: {  	v63 =	vand.u32 $0x1, v41;
	v62 =	vadd.s32 $0x7FFF, v8;
	v10 =	vand.u32 $0x1, v10;
	v8 =	vld.idx.msk [tilespmem:v23+s17+$0x0], $0xffff  }
0x65: {  	v21 =	vshrl.u32 v15, $0x10;
	v23 =	vand.u32 $0xFFFF0000, v62;
	v10 =	vadd.s32 v10, v13;
	v20 =	vld.idx.msk [tilespmem:v37+s13+$0x0], $0xffff  }
0x66: {  	v34 =	vld.idx.msk [tilespmem:v34+s13+$0x0], $0xffff;
	v10 =	vadd.s32 $0x7FFF, v10;
	v21 =	vand.u32 $0x1, v21;
	v25 =	vshrl.u32 v16, $0x10  }
0x67: {  	v7 =	vld.idx.msk [tilespmem:v22+s16+$0x0], $0xffff;
	v15 =	vadd.s32 v21, v15;
	v21 =	vand.u32 $0x1, v25;
	v13 =	vshrl.u32 v11, $0x10  }
0x68: {  	v21 =	vadd.s32 v21, v16;
	v16 =	vld.idx.msk [tilespmem:v36+s17+$0x0], $0xffff;
	v23 =	vmul.f32 v23, v12;
	v12 =	vand.u32 $0x1, v13  }
0x69: {  	v10 =	vand.u32 $0xFFFF0000, v10;
	v22 =	vshrl.u32 v14, $0x10;
	v13 =	vld.idx.msk [tilespmem:v31+s13+$0x0], $0xffff;
	v11 =	vadd.s32 v12, v11  }
0x6a: {  	v10 =	vmul.f32 v10, v20;
	v20 =	vld.idx.msk [tilespmem:v27+s13+$0x0], $0xffff;
	v19 =	vadd.f32 v23, v19;
	v11 =	vadd.s32 $0x7FFF, v11  }
0x6b: {  	v9 =	vadd.s32 v63, v9;
	v22 =	vand.u32 $0x1, v22;
	v12 =	vld.idx.msk [tilespmem:v26+s13+$0x0], $0xffff;
	v11 =	vand.u32 $0xFFFF0000, v11  }
0x6c: {  	s12 =	simm.s32 $0xA;
	v23 =	vld.idx.msk [tilespmem:v24+s13+$0x0], $0xffff;
	v19 =	vadd.f32 v10, v19;
	v11 =	vmul.f32 v11, v34;
	v10 =	vadd.s32 $0x7FFF, v9  }
0x6d: {  	v5 =	vor.u32 s12, v2;
	v14 =	vadd.s32 v22, v14;
	v24 =	vld.idx.msk [tilespmem:v28+s13+$0x0], $0xffff;
	v26 =	vand.u32 $0xFFFF0000, v10  }
0x6e: {  	v9 =	vld.idx.msk [tilespmem:v29+s16+$0x0], $0xffff;
	v19 =	vadd.f32 v11, v19;
	v22 =	vmul.f32 v26, v13;
	v13 =	vadd.s32 $0x7FFF, v14  }
0x6f: {  	v4 =	vor.u32 s11, v3;
	v15 =	vadd.s32 $0x7FFF, v15;
	v10 =	vld.idx.msk [tilespmem:v30+s17+$0x0], $0xffff;
	v14 =	vand.u32 $0xFFFF0000, v13  }
0x70: {  	v21 =	vadd.s32 $0x7FFF, v21;
	v11 =	vld.idx.msk [tilespmem:v32+s16+$0x0], $0xffff;
	v19 =	vadd.f32 v22, v19;
	v20 =	vmul.f32 v14, v20  }
0x71: {  	v17 =	vshrl.u32 v18, $0x10;
	v15 =	vand.u32 $0xFFFF0000, v15;
	v21 =	vand.u32 $0xFFFF0000, v21;
	v13 =	vld.idx.msk [tilespmem:v33+s17+$0x0], $0xffff  }
0x72: {  	v15 =	vmul.f32 v15, v24;
	v14 =	vld.idx.msk [tilespmem:v35+s16+$0x0], $0xffff;
	v22 =	vand.u32 $0x1, v17;
	v19 =	vadd.f32 v20, v19  }
0x73: {  	s4 =	simm.s32 $0x9;
	v6 =	vor.u32 s12, v3;
	v23 =	vmul.f32 v21, v23;
	v17 =	vld.idx.msk [tilespmem:v39+s16+$0x0], $0xffff;
	v24 =	vadd.s32 v22, v18  }
0x74: {  	v18 =	vld.idx.msk [tilespmem:v40+s17+$0x0], $0xffff;
	v20 =	vor.u32 s4, v2;
	v24 =	vadd.s32 $0x7FFF, v24;
	v22 =	vadd.f32 v15, v19  }
0x75: {  	v21 =	vor.u32 s4, v3;
	v24 =	vand.u32 $0xFFFF0000, v24;
	v15 =	vmov s28;
	v19 =	vld.idx.msk [tilespmem:v38+s16+$0x0], $0xffff;
	s28 =	simm.s32 $0x10  }
.LBB2_4:
0x76: {  	v25 =	vor.u32 s28, v2;
	p0 =	slt.u32 s28, $0x38;
	v26 =	vld.idx.msk [tilespmem:v4+s17+$0x0], $0xffff;
	v4 =	vadd.f32 v23, v22;
	v12 =	vmul.f32 v24, v12  }
0x77: {  	v22 =	vor.u32 s28, v3;
	v24 =	vmov s8;
	v27 =	vmov s26;
	v23 =	vld.idx.msk [tilespmem:v5+s16+$0x0], $0xffff  }
0x78: {  	s26 =	sadd.s32 $0x7, s28;
	v29 =	vmov s3;
	v30 =	vmov s9;
	v28 =	vld.idx.msk [tilespmem:v6+s17+$0x0], $0xffff;
	v31 =	vadd.f32 v12, v4  }
0x79: {  	s8 =	sadd.s32 $0x6, s28;
	v32 =	vor.u32 s26, v2;
	v33 =	vor.u32 s26, v3;
	v12 =	vld.idx.msk [tilespmem:v20+s16+$0x0], $0xffff;
	v20 =	vmov s11  }
0x7a: {  	s9 =	sadd.s32 $0x5, s28;
	v36 =	vmov s12;
	v34 =	vor.u32 s8, v2;
	v35 =	vor.u32 s8, v3;
	v21 =	vld.idx.msk [tilespmem:v21+s17+$0x0], $0xffff  }
0x7b: {  	s3 =	sadd.s32 $0x4, s28;
	v39 =	vmov s4;
	v37 =	vor.u32 s9, v2;
	v38 =	vor.u32 s9, v3;
	s11 =	sadd.s32 $0x3, s28  }
0x7c: {  	v41 =	vor.u32 s3, v2;
	v42 =	vor.u32 s3, v3;
	v40 =	vor.u32 s11, v2  }
0x7d: {  	s12 =	sadd.s32 $0x2, s28;
	v7 =	vadd.f32 v8, v7;
	v8 =	vadd.f32 v10, v9;
	v4 =	vor.u32 s11, v3  }
0x7e: {  	v10 =	vadd.f32 v13, v11;
	v5 =	vor.u32 s12, v2;
	v9 =	vadd.f32 v16, v14  }
0x7f: {  	v6 =	vor.u32 s12, v3;
	v13 =	vadd.f32 v18, v17;
	v11 =	vadd.f32 v26, v19  }
0x80: {  	v14 =	vmax.f32 v7, $0.0e+00;
	v7 =	vadd.f32 v21, v12;
	v12 =	vadd.f32 v28, v23  }
0x81: {  	v16 =	vmax.f32 v9, $0.0e+00;
	v17 =	vmax.f32 v10, $0.0e+00;
	v18 =	vmax.f32 v8, $0.0e+00  }
0x82: {  	v13 =	vmax.f32 v13, $0.0e+00;
	v11 =	vmax.f32 v11, $0.0e+00;
	v10 =	vmax.f32 v12, $0.0e+00;
	v9 =	vld.idx.msk [tilespmem:v15+s13+$0x0], $0xffff  }
0x83: {  	v8 =	vshrl.u32 v14, $0x10;
	v12 =	vmax.f32 v7, $0.0e+00;
	v15 =	vshrl.u32 v18, $0x10  }
0x84: {  	v8 =	vand.u32 $0x1, v8;
	v21 =	vshrl.u32 v16, $0x10;
	v23 =	vshrl.u32 v17, $0x10;
	v19 =	vld.idx.msk [tilespmem:v39+s13+$0x0], $0xffff  }
0x85: {  	v8 =	vadd.s32 v8, v14;
	v14 =	vshrl.u32 v12, $0x10;
	v7 =	vld.idx.msk [tilespmem:v25+s16+$0x0], $0xffff;
	v25 =	vshrl.u32 v13, $0x10  }
0x86: {  	v26 =	vadd.s32 $0x7FFF, v8;
	v14 =	vand.u32 $0x1, v14;
	v28 =	vld.idx.msk [tilespmem:v36+s13+$0x0], $0xffff;
	v36 =	vshrl.u32 v11, $0x10  }
0x87: {  	v12 =	vadd.s32 v14, v12;
	v14 =	vshrl.u32 v10, $0x10;
	v8 =	vld.idx.msk [tilespmem:v22+s17+$0x0], $0xffff;
	v22 =	vand.u32 $0xFFFF0000, v26  }
0x88: {  	v12 =	vadd.s32 $0x7FFF, v12;
	v14 =	vand.u32 $0x1, v14;
	v9 =	vmul.f32 v22, v9;
	v20 =	vld.idx.msk [tilespmem:v20+s13+$0x0], $0xffff  }
0x89: {  	v10 =	vadd.s32 v14, v10;
	v14 =	vand.u32 $0x1, v36;
	v22 =	vand.u32 $0xFFFF0000, v12;
	v12 =	vld.idx.msk [tilespmem:v27+s13+$0x0], $0xffff  }
0x8a: {  	v10 =	vadd.s32 $0x7FFF, v10;
	v19 =	vmul.f32 v22, v19;
	v9 =	vadd.f32 v9, v31;
	v22 =	vld.idx.msk [tilespmem:v29+s13+$0x0], $0xffff  }
0x8b: {  	v10 =	vand.u32 $0xFFFF0000, v10;
	v11 =	vadd.s32 v14, v11;
	v14 =	vand.u32 $0x1, v25;
	v24 =	vld.idx.msk [tilespmem:v24+s13+$0x0], $0xffff  }
0x8c: {  	v25 =	vmul.f32 v10, v28;
	v10 =	vadd.s32 $0x7FFF, v11;
	v19 =	vadd.f32 v19, v9;
	v26 =	vld.idx.msk [tilespmem:v30+s13+$0x0], $0xffff  }
0x8d: {  	v13 =	vadd.s32 v14, v13;
	v14 =	vand.u32 $0x1, v21;
	v11 =	vand.u32 $0xFFFF0000, v10;
	v9 =	vld.idx.msk [tilespmem:v32+s16+$0x0], $0xffff  }
0x8e: {  	v13 =	vadd.s32 $0x7FFF, v13;
	v20 =	vmul.f32 v11, v20;
	v10 =	vld.idx.msk [tilespmem:v33+s17+$0x0], $0xffff;
	v19 =	vadd.f32 v25, v19  }
0x8f: {  	v14 =	vadd.s32 v14, v16;
	v16 =	vand.u32 $0x1, v23;
	v21 =	vand.u32 $0xFFFF0000, v13;
	v11 =	vld.idx.msk [tilespmem:v34+s16+$0x0], $0xffff  }
0x90: {  	v13 =	vld.idx.msk [tilespmem:v35+s17+$0x0], $0xffff;
	v19 =	vadd.f32 v20, v19;
	v20 =	vmul.f32 v21, v22;
	v21 =	vadd.s32 $0x7FFF, v14  }
.Ltmp0:
0x91: {  	v15 =	vand.u32 $0x1, v15;
	v17 =	vadd.s32 v16, v17;
	v14 =	vld.idx.msk [tilespmem:v37+s16+$0x0], $0xffff;
	v21 =	vand.u32 $0xFFFF0000, v21;
	(pc) =	sbr.rel @p0 .LBB2_4-.Ltmp0, $4  }
0x92: {  	s4 =	sadd.s32 $0x1, s28;
	v22 =	vadd.s32 $0x7FFF, v17;
	v16 =	vld.idx.msk [tilespmem:v38+s17+$0x0], $0xffff;
	v19 =	vadd.f32 v20, v19;
	v21 =	vmul.f32 v21, v26  }
0x93: {  	v15 =	vadd.s32 v15, v18;
	v23 =	vand.u32 $0xFFFF0000, v22;
	v20 =	vor.u32 s4, v2;
	v17 =	vld.idx.msk [tilespmem:v41+s16+$0x0], $0xffff  }
0x94: {  	v23 =	vmul.f32 v23, v24;
	v24 =	vadd.s32 $0x7FFF, v15;
	v18 =	vld.idx.msk [tilespmem:v42+s17+$0x0], $0xffff;
	v22 =	vadd.f32 v21, v19  }
0x95: {  	v15 =	vmov s28;
	s28 =	sadd.s32 $0x8, s28;
	v24 =	vand.u32 $0xFFFF0000, v24;
	v21 =	vor.u32 s4, v3;
	v19 =	vld.idx.msk [tilespmem:v40+s16+$0x0], $0xffff  }
0x96: {  	_ =	sdelay $0x3  }
0x97: {  	v2 =	vld.idx.msk [tilespmem:v4+s17+$0x0], $0xffff;
	v59 =	vadd.f32 v23, v22  }
0x98: {  	v3 =	vld.idx.msk [tilespmem:v5+s16+$0x0], $0xffff;
	v60 =	vmul.f32 v24, v12;
	v62 =	vmov s8;
	v63 =	vmov s26  }
0x99: {  	v61 =	vld.idx.msk [tilespmem:v20+s16+$0x0], $0xffff;
	v28 =	vmov s3;
	v29 =	vmov s9;
	v7 =	vadd.f32 v8, v7  }
0x9a: {  	v21 =	vld.idx.msk [tilespmem:v21+s17+$0x0], $0xffff;
	v30 =	vmov s11;
	v31 =	vadd.f32 v10, v9;
	v11 =	vadd.f32 v13, v11  }
0x9b: {  	v58 =	vld.idx.msk [tilespmem:v6+s17+$0x0], $0xffff;
	v32 =	vmov s12;
	v34 =	vmov s4;
	v33 =	vadd.f32 v16, v14  }
0x9c: {  	v5 =	vadd.f32 v60, v59;
	v7 =	vmax.f32 v7, $0.0e+00;
	v37 =	vmax.f32 v11, $0.0e+00  }
0x9d: {  	v8 =	vmax.f32 v31, $0.0e+00;
	v35 =	vadd.f32 v18, v17;
	v36 =	vmax.f32 v33, $0.0e+00  }
0x9e: {  	v40 =	vshrl.u32 v7, $0x10;
	v41 =	vshrl.u32 v8, $0x10;
	v43 =	vshrl.u32 v37, $0x10  }
0x9f: {  	v39 =	vld.idx.msk [tilespmem:v15+s13+$0x0], $0xffff;
	v15 =	vand.u32 $0x1, v40;
	v42 =	vshrl.u32 v36, $0x10;
	v12 =	vadd.f32 v21, v61  }
0xa0: {  	v2 =	vadd.f32 v2, v19;
	v3 =	vadd.f32 v58, v3;
	v38 =	vmax.f32 v35, $0.0e+00  }
0xa1: {  	v7 =	vadd.s32 v15, v7;
	v45 =	vshrl.u32 v38, $0x10;
	v12 =	vmax.f32 v12, $0.0e+00  }
0xa2: {  	v13 =	vld.idx.msk [tilespmem:v34+s13+$0x0], $0xffff;
	v7 =	vadd.s32 $0x7FFF, v7;
	v3 =	vmax.f32 v3, $0.0e+00;
	v44 =	vshrl.u32 v12, $0x10  }
0xa3: {  	v2 =	vmax.f32 v2, $0.0e+00;
	v7 =	vand.u32 $0xFFFF0000, v7;
	v15 =	vand.u32 $0x1, v44  }
0xa4: {  	v9 =	vld.idx.msk [tilespmem:v32+s13+$0x0], $0xffff;
	v46 =	vshrl.u32 v2, $0x10;
	v47 =	vshrl.u32 v3, $0x10;
	v12 =	vadd.s32 v15, v12  }
0xa5: {  	v7 =	vmul.f32 v7, v39;
	v48 =	vand.u32 $0x1, v47;
	v12 =	vadd.s32 $0x7FFF, v12  }
0xa6: {  	v6 =	vld.idx.msk [tilespmem:v30+s13+$0x0], $0xffff;
	v49 =	vand.u32 $0x1, v46;
	v3 =	vadd.s32 v48, v3;
	v12 =	vand.u32 $0xFFFF0000, v12  }
0xa7: {  	v5 =	vadd.f32 v7, v5;
	v3 =	vadd.s32 $0x7FFF, v3;
	v50 =	vmul.f32 v12, v13  }
0xa8: {  	v51 =	vld.idx.msk [tilespmem:v28+s13+$0x0], $0xffff;
	v52 =	vand.u32 $0x1, v45;
	v2 =	vadd.s32 v49, v2;
	v3 =	vand.u32 $0xFFFF0000, v3  }
0xa9: {  	v2 =	vadd.s32 $0x7FFF, v2;
	v3 =	vmul.f32 v3, v9;
	v5 =	vadd.f32 v50, v5  }
0xaa: {  	v53 =	vld.idx.msk [tilespmem:v29+s13+$0x0], $0xffff;
	v55 =	vand.u32 $0x1, v42;
	v54 =	vadd.s32 v52, v38;
	v2 =	vand.u32 $0xFFFF0000, v2  }
0xab: {  	v56 =	vadd.s32 $0x7FFF, v54;
	v2 =	vmul.f32 v2, v6;
	v3 =	vadd.f32 v3, v5  }
0xac: {  	v57 =	vld.idx.msk [tilespmem:v62+s13+$0x0], $0xffff;
	v58 =	vand.u32 $0x1, v43;
	v4 =	vadd.s32 v55, v36;
	v5 =	vand.u32 $0xFFFF0000, v56  }
0xad: {  	v4 =	vadd.s32 $0x7FFF, v4;
	v2 =	vadd.f32 v2, v3;
	v3 =	vmul.f32 v5, v51  }
0xae: {  	v60 =	vand.u32 $0x1, v41;
	v59 =	vld.idx.msk [tilespmem:v63+s13+$0x0], $0xffff;
	v4 =	vand.u32 $0xFFFF0000, v4;
	v9 =	vadd.s32 v58, v37  }
0xaf: {  	v61 =	vadd.s32 $0x7FFF, v9;
	v2 =	vadd.f32 v3, v2;
	v3 =	vmul.f32 v4, v53  }
0xb0: {  	v62 =	vadd.s32 v60, v8;
	v4 =	vand.u32 $0xFFFF0000, v61  }
0xb1: {  	s0 =	sadd.s32 $0x1, s0;
	v63 =	vadd.s32 $0x7FFF, v62;
	v2 =	vadd.f32 v3, v2;
	v3 =	vmul.f32 v4, v57  }
0xb2: {  	p0 =	sne.s32 s0, $0x8;
	v4 =	vand.u32 $0xFFFF0000, v63  }
.Ltmp1:
0xb3: {  	v2 =	vadd.f32 v3, v2;
	v3 =	vmul.f32 v4, v59;
	(pc) =	sbr.rel @p0 .LBB2_3-.Ltmp1, $3  }
0xb4: {  	_ = 	snop  }
0xb5: {  	v2 =	vadd.f32 v3, v2;
	_ =	sdelay $0x1  }
0xb6: {  	[tilespmem:v1+s2+$0x0 ss:$0x1] =	vst.idx.msk $0xffff, v2  }
0xb7: {  	p0 =	seq.s32 s29, $0x13;
	s0 =	rddreg [dreg:$0x5]  }
0xb8: {  	s0 =	sadd.s32 @!p0 s31, s0  }
0xb9: {  	s0 =	sshrl.u32 @!p0 s0, $0x3  }
0xba: {  	s2 =	simm.s32 @!p0 $0x0;
	s1 =	sadd.s32 @!p0 s6, s0  }
0xbb: {  	[tilespmem:s2], [sflag:$0x5] =	stream.linear.gather @!p0 [hbm4b:s1+s2], $0x80, $0x38;
	[tilespmem:$0x11680] =	vst v63  }
0xbc: {  	s1 =	simm.s32 @!p0 $0x5  }
0xbd: {  	_ =	swait.ge @!p0 [sflag:s1], $0x80  }
0xbe: {  	[sflag:s1] =	ssyncset.done @!p0 $0x0  }
0xbf: {  	s3 =	simm.s32 @!p0 $0x80;
	s0 =	sadd.s32 @!p0 s7, s0;
	[sflag:s1] =	ssyncadd.s32 @!p0 $0xFFFFFF80  }
0xc0: {  	[tilespmem:s3], [sflag:$0x5] =	stream.linear.gather @!p0 [hbm4b:s0+s2], $0x80, $0x38;
	[tilespmem:$0x11680] =	vst v63  }
0xc1: {  	_ =	swait.ge @!p0 [sflag:s1], $0x80  }
0xc2: {  	[sflag:s1] =	ssyncset.done @!p0 $0x0  }
0xc3: {  	s0 =	simm.s32 @!p0 $0x200;
	[sflag:s1] =	ssyncadd.s32 @!p0 $0xFFFFFF80  }
0xc4: {  	[tilespmem:s0], [sflag:$0x1] =	stream.indirect.gather @!p0 [hbm4b:s5+s3], $0x80, s2, s3, $0xb8;
	[tilespmem:$0x11680] =	vst v63  }
0xc5: {  	s0 =	simm.s32 @!p0 $0x4200  }
0xc6: {  	[tilespmem:s0], [sflag:$0x2] =	stream.indirect.gather @!p0 [hbm4b:s5+s3], $0x80, s3, s3, $0xb8;
	[tilespmem:$0x11680] =	vst v63  }
0xc7: {  	_ =	swait.ge [sflag:s24], $0x4000  }
0xc8: {  	[sflag:s24] =	ssyncset.done $0x0  }
0xc9: {  	[sflag:s24] =	ssyncadd.s32 $0xFFFFC000  }
0xca: {  	_ =	swait.ge [sflag:s25], $0x4000  }
0xcb: {  	s31 =	sadd.s32 $0x10200, s30;
	[sflag:s25] =	ssyncset.done $0x0  }
0xcc: {  	v1 =	vmov s31;
	s1 =	simm.s32 $0x0;
	s0 =	simm.s32 $0x0;
	[sflag:s25] =	ssyncadd.s32 $0xFFFFC000  }
.LBB2_7:
0xcd: {  	s2 =	sshll.u32 s0, $0x4  }
0xce: {  	v2 =	vmov s2  }
0xcf: {  	v2 =	vshll.u32 v2, $0x7  }
0xd0: {  	v2 =	vor.u32 v0, v2  }
0xd1: {  	s3 =	simm.s32 $0x7;
	v4 =	vor.u32 s1, v2  }
0xd2: {  	s4 =	simm.s32 $0x6;
	v6 =	vor.u32 s3, v2  }
0xd3: {  	s9 =	simm.s32 $0x4;
	v8 =	vor.u32 s4, v2  }
0xd4: {  	s10 =	simm.s32 $0x3;
	v12 =	vor.u32 s9, v2  }
0xd5: {  	s12 =	simm.s32 $0x1;
	v14 =	vor.u32 s10, v2  }
0xd6: {  	v3 =	vor.u32 $0x40, v2;
	v18 =	vor.u32 s12, v2;
	v10 =	vld.idx.msk [tilespmem:v4+s20+$0x0], $0xffff  }
0xd7: {  	v5 =	vor.u32 s1, v3;
	v6 =	vld.idx.msk [tilespmem:v6+s20+$0x0], $0xffff  }
0xd8: {  	v7 =	vor.u32 s3, v3;
	v8 =	vld.idx.msk [tilespmem:v8+s20+$0x0], $0xffff  }
0xd9: {  	v9 =	vor.u32 s4, v3;
	v12 =	vld.idx.msk [tilespmem:v12+s20+$0x0], $0xffff  }
0xda: {  	s8 =	simm.s32 $0x5;
	v13 =	vor.u32 s9, v3;
	v14 =	vld.idx.msk [tilespmem:v14+s20+$0x0], $0xffff  }
0xdb: {  	v4 =	vor.u32 s8, v2;
	v18 =	vld.idx.msk [tilespmem:v18+s20+$0x0], $0xffff  }
0xdc: {  	v15 =	vor.u32 s10, v3;
	v5 =	vld.idx.msk [tilespmem:v5+s21+$0x0], $0xffff  }
0xdd: {  	v21 =	vor.u32 s12, v3;
	v7 =	vld.idx.msk [tilespmem:v7+s21+$0x0], $0xffff  }
0xde: {  	s11 =	simm.s32 $0x2;
	v19 =	vimm.f32 $0.0e+00;
	v11 =	vor.u32 s8, v3;
	v9 =	vld.idx.msk [tilespmem:v9+s21+$0x0], $0xffff  }
0xdf: {  	v20 =	vmov s1;
	v24 =	vmov s4;
	v17 =	vor.u32 s11, v3;
	v13 =	vld.idx.msk [tilespmem:v13+s21+$0x0], $0xffff  }
0xe0: {  	v26 =	vmov s3;
	v27 =	vmov s9;
	v16 =	vld.idx.msk [tilespmem:v4+s20+$0x0], $0xffff;
	v4 =	vor.u32 s11, v2  }
0xe1: {  	s28 =	simm.s32 $0x8;
	s26 =	simm.s32 $0xF;
	v28 =	vmov s8;
	v31 =	vmov s10;
	v34 =	vmov s11;
	v15 =	vld.idx.msk [tilespmem:v15+s21+$0x0], $0xffff  }
0xe2: {  	v37 =	vmov s12;
	v22 =	vor.u32 s28, v2;
	v29 =	vor.u32 s26, v2;
	s9 =	simm.s32 $0xD;
	v21 =	vld.idx.msk [tilespmem:v21+s21+$0x0], $0xffff  }
0xe3: {  	v23 =	vor.u32 s28, v3;
	v30 =	vor.u32 s26, v3;
	s3 =	simm.s32 $0xC;
	v35 =	vor.u32 s9, v2;
	v11 =	vld.idx.msk [tilespmem:v11+s21+$0x0], $0xffff  }
0xe4: {  	v36 =	vor.u32 s9, v3;
	v39 =	vor.u32 s3, v2;
	v40 =	vor.u32 s3, v3;
	s8 =	simm.s32 $0xE;
	v17 =	vld.idx.msk [tilespmem:v17+s21+$0x0], $0xffff  }
0xe5: {  	v32 =	vor.u32 s8, v2;
	v10 =	vadd.f32 v5, v10;
	v7 =	vadd.f32 v7, v6;
	v25 =	vld.idx.msk [tilespmem:v4+s20+$0x0], $0xffff  }
0xe6: {  	v33 =	vor.u32 s8, v3;
	s11 =	simm.s32 $0xB;
	v8 =	vadd.f32 v9, v8;
	v9 =	vadd.f32 v15, v14  }
0xe7: {  	v38 =	vor.u32 s11, v2;
	v12 =	vadd.f32 v13, v12;
	v13 =	vadd.f32 v21, v18  }
0xe8: {  	v10 =	vmax.f32 v10, $0.0e+00;
	v18 =	vmax.f32 v7, $0.0e+00;
	v9 =	vmax.f32 v9, $0.0e+00  }
0xe9: {  	v13 =	vmax.f32 v13, $0.0e+00;
	v7 =	vshrl.u32 v10, $0x10;
	v11 =	vadd.f32 v11, v16  }
0xea: {  	v16 =	vmax.f32 v8, $0.0e+00;
	v8 =	vand.u32 $0x1, v7;
	v14 =	vadd.f32 v17, v25  }
0xeb: {  	v41 =	vshrl.u32 v9, $0x10;
	v8 =	vadd.s32 v8, v10;
	v10 =	vshrl.u32 v13, $0x10  }
0xec: {  	v15 =	vmax.f32 v11, $0.0e+00;
	v11 =	vmax.f32 v14, $0.0e+00;
	v14 =	vmax.f32 v12, $0.0e+00;
	v12 =	vld.idx.msk [tilespmem:v20+s13+$0x0], $0xffff  }
0xed: {  	v63 =	vand.u32 $0x1, v41;
	v62 =	vadd.s32 $0x7FFF, v8;
	v10 =	vand.u32 $0x1, v10;
	v8 =	vld.idx.msk [tilespmem:v23+s21+$0x0], $0xffff  }
0xee: {  	v21 =	vshrl.u32 v15, $0x10;
	v23 =	vand.u32 $0xFFFF0000, v62;
	v10 =	vadd.s32 v10, v13;
	v20 =	vld.idx.msk [tilespmem:v37+s13+$0x0], $0xffff  }
0xef: {  	v34 =	vld.idx.msk [tilespmem:v34+s13+$0x0], $0xffff;
	v10 =	vadd.s32 $0x7FFF, v10;
	v21 =	vand.u32 $0x1, v21;
	v25 =	vshrl.u32 v16, $0x10  }
0xf0: {  	v7 =	vld.idx.msk [tilespmem:v22+s20+$0x0], $0xffff;
	v15 =	vadd.s32 v21, v15;
	v21 =	vand.u32 $0x1, v25;
	v13 =	vshrl.u32 v11, $0x10  }
0xf1: {  	v21 =	vadd.s32 v21, v16;
	v16 =	vld.idx.msk [tilespmem:v36+s21+$0x0], $0xffff;
	v23 =	vmul.f32 v23, v12;
	v12 =	vand.u32 $0x1, v13  }
0xf2: {  	v10 =	vand.u32 $0xFFFF0000, v10;
	v22 =	vshrl.u32 v14, $0x10;
	v13 =	vld.idx.msk [tilespmem:v31+s13+$0x0], $0xffff;
	v11 =	vadd.s32 v12, v11  }
0xf3: {  	v10 =	vmul.f32 v10, v20;
	v20 =	vld.idx.msk [tilespmem:v27+s13+$0x0], $0xffff;
	v19 =	vadd.f32 v23, v19;
	v11 =	vadd.s32 $0x7FFF, v11  }
0xf4: {  	v9 =	vadd.s32 v63, v9;
	v22 =	vand.u32 $0x1, v22;
	v12 =	vld.idx.msk [tilespmem:v26+s13+$0x0], $0xffff;
	v11 =	vand.u32 $0xFFFF0000, v11  }
0xf5: {  	s12 =	simm.s32 $0xA;
	v23 =	vld.idx.msk [tilespmem:v24+s13+$0x0], $0xffff;
	v19 =	vadd.f32 v10, v19;
	v11 =	vmul.f32 v11, v34;
	v10 =	vadd.s32 $0x7FFF, v9  }
0xf6: {  	v5 =	vor.u32 s12, v2;
	v14 =	vadd.s32 v22, v14;
	v24 =	vld.idx.msk [tilespmem:v28+s13+$0x0], $0xffff;
	v26 =	vand.u32 $0xFFFF0000, v10  }
0xf7: {  	v9 =	vld.idx.msk [tilespmem:v29+s20+$0x0], $0xffff;
	v19 =	vadd.f32 v11, v19;
	v22 =	vmul.f32 v26, v13;
	v13 =	vadd.s32 $0x7FFF, v14  }
0xf8: {  	v4 =	vor.u32 s11, v3;
	v15 =	vadd.s32 $0x7FFF, v15;
	v10 =	vld.idx.msk [tilespmem:v30+s21+$0x0], $0xffff;
	v14 =	vand.u32 $0xFFFF0000, v13  }
0xf9: {  	v21 =	vadd.s32 $0x7FFF, v21;
	v11 =	vld.idx.msk [tilespmem:v32+s20+$0x0], $0xffff;
	v19 =	vadd.f32 v22, v19;
	v20 =	vmul.f32 v14, v20  }
0xfa: {  	v17 =	vshrl.u32 v18, $0x10;
	v15 =	vand.u32 $0xFFFF0000, v15;
	v21 =	vand.u32 $0xFFFF0000, v21;
	v13 =	vld.idx.msk [tilespmem:v33+s21+$0x0], $0xffff  }
0xfb: {  	v15 =	vmul.f32 v15, v24;
	v14 =	vld.idx.msk [tilespmem:v35+s20+$0x0], $0xffff;
	v22 =	vand.u32 $0x1, v17;
	v19 =	vadd.f32 v20, v19  }
0xfc: {  	s4 =	simm.s32 $0x9;
	v6 =	vor.u32 s12, v3;
	v23 =	vmul.f32 v21, v23;
	v17 =	vld.idx.msk [tilespmem:v39+s20+$0x0], $0xffff;
	v24 =	vadd.s32 v22, v18  }
0xfd: {  	v18 =	vld.idx.msk [tilespmem:v40+s21+$0x0], $0xffff;
	v20 =	vor.u32 s4, v2;
	v24 =	vadd.s32 $0x7FFF, v24;
	v22 =	vadd.f32 v15, v19  }
0xfe: {  	v21 =	vor.u32 s4, v3;
	v24 =	vand.u32 $0xFFFF0000, v24;
	v15 =	vmov s28;
	v19 =	vld.idx.msk [tilespmem:v38+s20+$0x0], $0xffff;
	s28 =	simm.s32 $0x10  }
.LBB2_8:
0xff: {  	v25 =	vor.u32 s28, v2;
	p0 =	slt.u32 s28, $0x38;
	v26 =	vld.idx.msk [tilespmem:v4+s21+$0x0], $0xffff;
	v4 =	vadd.f32 v23, v22;
	v12 =	vmul.f32 v24, v12  }
0x100: {  	v22 =	vor.u32 s28, v3;
	v24 =	vmov s8;
	v27 =	vmov s26;
	v23 =	vld.idx.msk [tilespmem:v5+s20+$0x0], $0xffff  }
0x101: {  	s26 =	sadd.s32 $0x7, s28;
	v29 =	vmov s3;
	v30 =	vmov s9;
	v28 =	vld.idx.msk [tilespmem:v6+s21+$0x0], $0xffff;
	v31 =	vadd.f32 v12, v4  }
0x102: {  	s8 =	sadd.s32 $0x6, s28;
	v32 =	vor.u32 s26, v2;
	v33 =	vor.u32 s26, v3;
	v12 =	vld.idx.msk [tilespmem:v20+s20+$0x0], $0xffff;
	v20 =	vmov s11  }
0x103: {  	s9 =	sadd.s32 $0x5, s28;
	v36 =	vmov s12;
	v34 =	vor.u32 s8, v2;
	v35 =	vor.u32 s8, v3;
	v21 =	vld.idx.msk [tilespmem:v21+s21+$0x0], $0xffff  }
0x104: {  	s3 =	sadd.s32 $0x4, s28;
	v39 =	vmov s4;
	v37 =	vor.u32 s9, v2;
	v38 =	vor.u32 s9, v3;
	s11 =	sadd.s32 $0x3, s28  }
0x105: {  	v41 =	vor.u32 s3, v2;
	v42 =	vor.u32 s3, v3;
	v40 =	vor.u32 s11, v2  }
0x106: {  	s12 =	sadd.s32 $0x2, s28;
	v7 =	vadd.f32 v8, v7;
	v8 =	vadd.f32 v10, v9;
	v4 =	vor.u32 s11, v3  }
0x107: {  	v10 =	vadd.f32 v13, v11;
	v5 =	vor.u32 s12, v2;
	v9 =	vadd.f32 v16, v14  }
0x108: {  	v6 =	vor.u32 s12, v3;
	v13 =	vadd.f32 v18, v17;
	v11 =	vadd.f32 v26, v19  }
0x109: {  	v14 =	vmax.f32 v7, $0.0e+00;
	v7 =	vadd.f32 v21, v12;
	v12 =	vadd.f32 v28, v23  }
0x10a: {  	v16 =	vmax.f32 v9, $0.0e+00;
	v17 =	vmax.f32 v10, $0.0e+00;
	v18 =	vmax.f32 v8, $0.0e+00  }
0x10b: {  	v13 =	vmax.f32 v13, $0.0e+00;
	v11 =	vmax.f32 v11, $0.0e+00;
	v10 =	vmax.f32 v12, $0.0e+00;
	v9 =	vld.idx.msk [tilespmem:v15+s13+$0x0], $0xffff  }
0x10c: {  	v8 =	vshrl.u32 v14, $0x10;
	v12 =	vmax.f32 v7, $0.0e+00;
	v15 =	vshrl.u32 v18, $0x10  }
0x10d: {  	v8 =	vand.u32 $0x1, v8;
	v21 =	vshrl.u32 v16, $0x10;
	v23 =	vshrl.u32 v17, $0x10;
	v19 =	vld.idx.msk [tilespmem:v39+s13+$0x0], $0xffff  }
0x10e: {  	v8 =	vadd.s32 v8, v14;
	v14 =	vshrl.u32 v12, $0x10;
	v7 =	vld.idx.msk [tilespmem:v25+s20+$0x0], $0xffff;
	v25 =	vshrl.u32 v13, $0x10  }
0x10f: {  	v26 =	vadd.s32 $0x7FFF, v8;
	v14 =	vand.u32 $0x1, v14;
	v28 =	vld.idx.msk [tilespmem:v36+s13+$0x0], $0xffff;
	v36 =	vshrl.u32 v11, $0x10  }
0x110: {  	v12 =	vadd.s32 v14, v12;
	v14 =	vshrl.u32 v10, $0x10;
	v8 =	vld.idx.msk [tilespmem:v22+s21+$0x0], $0xffff;
	v22 =	vand.u32 $0xFFFF0000, v26  }
0x111: {  	v12 =	vadd.s32 $0x7FFF, v12;
	v14 =	vand.u32 $0x1, v14;
	v9 =	vmul.f32 v22, v9;
	v20 =	vld.idx.msk [tilespmem:v20+s13+$0x0], $0xffff  }
0x112: {  	v10 =	vadd.s32 v14, v10;
	v14 =	vand.u32 $0x1, v36;
	v22 =	vand.u32 $0xFFFF0000, v12;
	v12 =	vld.idx.msk [tilespmem:v27+s13+$0x0], $0xffff  }
0x113: {  	v10 =	vadd.s32 $0x7FFF, v10;
	v19 =	vmul.f32 v22, v19;
	v9 =	vadd.f32 v9, v31;
	v22 =	vld.idx.msk [tilespmem:v29+s13+$0x0], $0xffff  }
0x114: {  	v10 =	vand.u32 $0xFFFF0000, v10;
	v11 =	vadd.s32 v14, v11;
	v14 =	vand.u32 $0x1, v25;
	v24 =	vld.idx.msk [tilespmem:v24+s13+$0x0], $0xffff  }
0x115: {  	v25 =	vmul.f32 v10, v28;
	v10 =	vadd.s32 $0x7FFF, v11;
	v19 =	vadd.f32 v19, v9;
	v26 =	vld.idx.msk [tilespmem:v30+s13+$0x0], $0xffff  }
0x116: {  	v13 =	vadd.s32 v14, v13;
	v14 =	vand.u32 $0x1, v21;
	v11 =	vand.u32 $0xFFFF0000, v10;
	v9 =	vld.idx.msk [tilespmem:v32+s20+$0x0], $0xffff  }
0x117: {  	v13 =	vadd.s32 $0x7FFF, v13;
	v20 =	vmul.f32 v11, v20;
	v10 =	vld.idx.msk [tilespmem:v33+s21+$0x0], $0xffff;
	v19 =	vadd.f32 v25, v19  }
0x118: {  	v14 =	vadd.s32 v14, v16;
	v16 =	vand.u32 $0x1, v23;
	v21 =	vand.u32 $0xFFFF0000, v13;
	v11 =	vld.idx.msk [tilespmem:v34+s20+$0x0], $0xffff  }
0x119: {  	v13 =	vld.idx.msk [tilespmem:v35+s21+$0x0], $0xffff;
	v19 =	vadd.f32 v20, v19;
	v20 =	vmul.f32 v21, v22;
	v21 =	vadd.s32 $0x7FFF, v14  }
.Ltmp2:
0x11a: {  	v15 =	vand.u32 $0x1, v15;
	v17 =	vadd.s32 v16, v17;
	v14 =	vld.idx.msk [tilespmem:v37+s20+$0x0], $0xffff;
	v21 =	vand.u32 $0xFFFF0000, v21;
	(pc) =	sbr.rel @p0 .LBB2_8-.Ltmp2, $4  }
0x11b: {  	s4 =	sadd.s32 $0x1, s28;
	v22 =	vadd.s32 $0x7FFF, v17;
	v16 =	vld.idx.msk [tilespmem:v38+s21+$0x0], $0xffff;
	v19 =	vadd.f32 v20, v19;
	v21 =	vmul.f32 v21, v26  }
0x11c: {  	v15 =	vadd.s32 v15, v18;
	v23 =	vand.u32 $0xFFFF0000, v22;
	v20 =	vor.u32 s4, v2;
	v17 =	vld.idx.msk [tilespmem:v41+s20+$0x0], $0xffff  }
0x11d: {  	v23 =	vmul.f32 v23, v24;
	v24 =	vadd.s32 $0x7FFF, v15;
	v18 =	vld.idx.msk [tilespmem:v42+s21+$0x0], $0xffff;
	v22 =	vadd.f32 v21, v19  }
0x11e: {  	v15 =	vmov s28;
	s28 =	sadd.s32 $0x8, s28;
	v24 =	vand.u32 $0xFFFF0000, v24;
	v21 =	vor.u32 s4, v3;
	v19 =	vld.idx.msk [tilespmem:v40+s20+$0x0], $0xffff  }
0x11f: {  	_ =	sdelay $0x3  }
0x120: {  	v2 =	vld.idx.msk [tilespmem:v4+s21+$0x0], $0xffff;
	v59 =	vadd.f32 v23, v22  }
0x121: {  	v3 =	vld.idx.msk [tilespmem:v5+s20+$0x0], $0xffff;
	v60 =	vmul.f32 v24, v12;
	v62 =	vmov s8;
	v63 =	vmov s26  }
0x122: {  	v61 =	vld.idx.msk [tilespmem:v20+s20+$0x0], $0xffff;
	v28 =	vmov s3;
	v29 =	vmov s9;
	v7 =	vadd.f32 v8, v7  }
0x123: {  	v21 =	vld.idx.msk [tilespmem:v21+s21+$0x0], $0xffff;
	v30 =	vmov s11;
	v31 =	vadd.f32 v10, v9;
	v11 =	vadd.f32 v13, v11  }
0x124: {  	v58 =	vld.idx.msk [tilespmem:v6+s21+$0x0], $0xffff;
	v32 =	vmov s12;
	v34 =	vmov s4;
	v33 =	vadd.f32 v16, v14  }
0x125: {  	v5 =	vadd.f32 v60, v59;
	v7 =	vmax.f32 v7, $0.0e+00;
	v37 =	vmax.f32 v11, $0.0e+00  }
0x126: {  	v8 =	vmax.f32 v31, $0.0e+00;
	v35 =	vadd.f32 v18, v17;
	v36 =	vmax.f32 v33, $0.0e+00  }
0x127: {  	v40 =	vshrl.u32 v7, $0x10;
	v41 =	vshrl.u32 v8, $0x10;
	v43 =	vshrl.u32 v37, $0x10  }
0x128: {  	v39 =	vld.idx.msk [tilespmem:v15+s13+$0x0], $0xffff;
	v15 =	vand.u32 $0x1, v40;
	v42 =	vshrl.u32 v36, $0x10;
	v12 =	vadd.f32 v21, v61  }
0x129: {  	v2 =	vadd.f32 v2, v19;
	v3 =	vadd.f32 v58, v3;
	v38 =	vmax.f32 v35, $0.0e+00  }
0x12a: {  	v7 =	vadd.s32 v15, v7;
	v45 =	vshrl.u32 v38, $0x10;
	v12 =	vmax.f32 v12, $0.0e+00  }
0x12b: {  	v13 =	vld.idx.msk [tilespmem:v34+s13+$0x0], $0xffff;
	v7 =	vadd.s32 $0x7FFF, v7;
	v3 =	vmax.f32 v3, $0.0e+00;
	v44 =	vshrl.u32 v12, $0x10  }
0x12c: {  	v2 =	vmax.f32 v2, $0.0e+00;
	v7 =	vand.u32 $0xFFFF0000, v7;
	v15 =	vand.u32 $0x1, v44  }
0x12d: {  	v9 =	vld.idx.msk [tilespmem:v32+s13+$0x0], $0xffff;
	v46 =	vshrl.u32 v2, $0x10;
	v47 =	vshrl.u32 v3, $0x10;
	v12 =	vadd.s32 v15, v12  }
0x12e: {  	v7 =	vmul.f32 v7, v39;
	v48 =	vand.u32 $0x1, v47;
	v12 =	vadd.s32 $0x7FFF, v12  }
0x12f: {  	v6 =	vld.idx.msk [tilespmem:v30+s13+$0x0], $0xffff;
	v49 =	vand.u32 $0x1, v46;
	v3 =	vadd.s32 v48, v3;
	v12 =	vand.u32 $0xFFFF0000, v12  }
0x130: {  	v5 =	vadd.f32 v7, v5;
	v3 =	vadd.s32 $0x7FFF, v3;
	v50 =	vmul.f32 v12, v13  }
0x131: {  	v51 =	vld.idx.msk [tilespmem:v28+s13+$0x0], $0xffff;
	v52 =	vand.u32 $0x1, v45;
	v2 =	vadd.s32 v49, v2;
	v3 =	vand.u32 $0xFFFF0000, v3  }
0x132: {  	v2 =	vadd.s32 $0x7FFF, v2;
	v3 =	vmul.f32 v3, v9;
	v5 =	vadd.f32 v50, v5  }
0x133: {  	v53 =	vld.idx.msk [tilespmem:v29+s13+$0x0], $0xffff;
	v55 =	vand.u32 $0x1, v42;
	v54 =	vadd.s32 v52, v38;
	v2 =	vand.u32 $0xFFFF0000, v2  }
0x134: {  	v56 =	vadd.s32 $0x7FFF, v54;
	v2 =	vmul.f32 v2, v6;
	v3 =	vadd.f32 v3, v5  }
0x135: {  	v57 =	vld.idx.msk [tilespmem:v62+s13+$0x0], $0xffff;
	v58 =	vand.u32 $0x1, v43;
	v4 =	vadd.s32 v55, v36;
	v5 =	vand.u32 $0xFFFF0000, v56  }
0x136: {  	v4 =	vadd.s32 $0x7FFF, v4;
	v2 =	vadd.f32 v2, v3;
	v3 =	vmul.f32 v5, v51  }
0x137: {  	v60 =	vand.u32 $0x1, v41;
	v59 =	vld.idx.msk [tilespmem:v63+s13+$0x0], $0xffff;
	v4 =	vand.u32 $0xFFFF0000, v4;
	v9 =	vadd.s32 v58, v37  }
0x138: {  	v61 =	vadd.s32 $0x7FFF, v9;
	v2 =	vadd.f32 v3, v2;
	v3 =	vmul.f32 v4, v53  }
0x139: {  	v62 =	vadd.s32 v60, v8;
	v4 =	vand.u32 $0xFFFF0000, v61  }
0x13a: {  	s0 =	sadd.s32 $0x1, s0;
	v63 =	vadd.s32 $0x7FFF, v62;
	v2 =	vadd.f32 v3, v2;
	v3 =	vmul.f32 v4, v57  }
0x13b: {  	p0 =	sne.s32 s0, $0x8;
	v4 =	vand.u32 $0xFFFF0000, v63  }
.Ltmp3:
0x13c: {  	v2 =	vadd.f32 v3, v2;
	v3 =	vmul.f32 v4, v59;
	(pc) =	sbr.rel @p0 .LBB2_7-.Ltmp3, $3  }
0x13d: {  	_ = 	snop  }
0x13e: {  	v2 =	vadd.f32 v3, v2;
	_ =	sdelay $0x1  }
0x13f: {  	[tilespmem:v1+s2+$0x0 ss:$0x1] =	vst.idx.msk $0xffff, v2  }
0x140: {  	s29 =	sadd.s32 $0x1, s29  }
0x141: {  	p0 =	sne.s32 s29, $0x14  }
.Ltmp4:
0x142: {  	_ = 	snop;
	(pc) =	sbr.rel @p0 .LBB2_2-.Ltmp4, $1  }
0x143: {  	_ =	sdelay $0x3  }
0x144: {  	s4 =	simm.s32 $0x0;
	s0 =	rddreg [dreg:$0x6];
	s1 =	simm.s32 $0x10200  }
0x145: {  	[hbm4b:s0+s4] =	stream.linear.scatter [tilespmem:s1], [sflag:$0x5], $0x1400, $0x38;
	[tilespmem:$0x11680] =	vst v63  }
0x146: {  	_ =	swait.ge [sflag:s14], $0x1400  }
0x147: {  	s30 =	rddreg [dreg:$0x8]  }
0x148: {  	s31 =	rddreg [dreg:$0x7];
	s1 =	sadd.s32 $0x1, s30  }
0x149: {  	p0 =	sne.s32 s1, s31  }
.Ltmp5:
0x14a: {  	_ = 	snop;
	(pc) =	sbr.rel @p0 .LBB2_1-.Ltmp5, $3  }
0x14b: {  	_ =	sdelay $0x1  }
0x14c: {  	[sflag:s14] =	ssyncset.done $0x0  }
0x14d: {  	[sflag:s14] =	ssyncadd.s32 $0xFFFFEC00  }
0x14e: {  	_ =	sfence.sel $0x180000  }
0x14f: {  	[bflag:$0x0] =	sbarrier.arrive $0xFFFF  }
0x150: {  	_ =	strace $0x90000047  }
0x151: {  	s0 =	stileid.u32;
	[bflag:$0x2] =	sbarrier.arrive $0xFFFF  }
0x152: {  	p0 =	sne.s32 s0, $0x0;
	s0 =	rddreg [dreg:$0x2]  }
0x153: {  	s0 =	sadd.s32 @!p0 $0x100000, s0  }
0x154: {  	[sflag:s0] =	ssyncadd.tile.s32 @!p0 $0x1;
	_ =	shalt  }
.Lfunc_end2:
_tile_overlayer_lowered:
.L_overlay_start_2:
0x155: {  	(tag) =	ssettag $0x2  }
0x156: {  	s0 =	rddreg [dreg:$0x0];
	s2 =	stileid.u32  }
0x157: {  	s1 =	rddreg [dreg:$0x1];
	p0 =	sne.s32 s2, $0x0  }
0x158: {  	s3 =	rddreg [dreg:$0x2];
	[bflag:$0x3] =	sbarrier.arrive $0xFFFF;
	s2 =	simm.s32 @!p0 $0x1C05  }
0x159: {  	[timem:s3], [sflag:s2] =	dma.local @!p0 [hbm:s0], s1  }
0x15a: {  	s0 =	simm.s32 @!p0 $0x5  }
0x15b: {  	_ =	swait.ge @!p0 [sflag:s0], s1  }
0x15c: {  	s1 =	ssub.s32 @!p0 $0x0, s1;
	[sflag:s0] =	ssyncset.done @!p0 $0x0  }
0x15d: {  	[sflag:s0] =	ssyncadd.s32 @!p0 s1  }
0x15e: {  	[bflag:$0x3] =	sbarrier.arrive $0xFFFF  }
0x15f: {  	_ =	shalt  }

</sc_bundles>
